<compile_context>
chip_gen: v7x
topology: tpu7x:2x2x1
jax: 0.10.2.dev20260603
libtpu: 0.0.44.dev20260713+nightly
codegen_flags: <defaults>
</compile_context>

<pallas_src>
import functools

import jax
import jax.numpy as jnp
from jax import lax
from jax.experimental import pallas as pl
from jax.experimental.pallas import tpu as pltpu
from jax.experimental.pallas import tpu_sc as plsc

CAM_DIM = 3
ROT_DIM = 6
N_JOINTS = 22
CENTER2D_THRESH_SQ = 25.0
POSE_THRESH = 2.5

_PI = 3.14159265358979
_PI_2 = 1.5707963267948966

_N = 1000
_NKP = 1024
_NRP = 1008
_D = CAM_DIM + N_JOINTS * ROT_DIM + 10


def _asin_poly(z):
    p = jnp.float32(4.2163199048e-2)
    p = p * z + jnp.float32(2.4181311049e-2)
    p = p * z + jnp.float32(4.5470025998e-2)
    p = p * z + jnp.float32(7.4953002686e-2)
    p = p * z + jnp.float32(1.6666752422e-1)
    return p


def _acos(x):
    ax = jnp.abs(x)
    asin_small = _asin_poly(ax * ax) * (ax * ax) * ax + ax
    acos_mid = jnp.where(x >= 0, _PI_2 - asin_small, _PI_2 + asin_small)
    z = 0.5 * (1.0 - ax)
    s = jnp.sqrt(z)
    asin_s = _asin_poly(z) * z * s + s
    acos_big = jnp.where(x >= 0, 2.0 * asin_s, _PI - 2.0 * asin_s)
    return jnp.where(ax <= 0.5, acos_mid, acos_big)


def _tc1_body(p6_ref, czI_ref, bI_ref, kmat_ref, aa_ref, cnt_ref):
    J = N_JOINTS
    a1x = p6_ref[0 * J:1 * J, :]
    a1y = p6_ref[1 * J:2 * J, :]
    a1z = p6_ref[2 * J:3 * J, :]
    a2x = p6_ref[3 * J:4 * J, :]
    a2y = p6_ref[4 * J:5 * J, :]
    a2z = p6_ref[5 * J:6 * J, :]
    n1 = jnp.sqrt(a1x * a1x + a1y * a1y + a1z * a1z)
    inv1 = 1.0 / (n1 + 1e-8)
    b1x = a1x * inv1
    b1y = a1y * inv1
    b1z = a1z * inv1
    d = b1x * a2x + b1y * a2y + b1z * a2z
    ux = a2x - d * b1x
    uy = a2y - d * b1y
    uz = a2z - d * b1z
    n2 = jnp.sqrt(ux * ux + uy * uy + uz * uz)
    inv2 = 1.0 / (n2 + 1e-8)
    b2x = ux * inv2
    b2y = uy * inv2
    b2z = uz * inv2
    b3x = b1y * b2z - b1z * b2y
    b3y = b1z * b2x - b1x * b2z
    b3z = b1x * b2y - b1y * b2x
    tr = b1x + b2y + b3z
    cos = jnp.clip((tr - 1.0) * 0.5, -1.0 + 1e-6, 1.0 - 1e-6)
    ang = _acos(cos)
    sinang = jnp.sqrt((1.0 - cos) * (1.0 + cos))
    f = ang / (2.0 * sinang + 1e-8)
    aa_ref[0 * J:1 * J, :] = (b2z - b3y) * f
    aa_ref[1 * J:2 * J, :] = (b3x - b1z) * f
    aa_ref[2 * J:3 * J, :] = (b1y - b2x) * f

    n = czI_ref.shape[0]
    y_i = czI_ref[:, 1:2]
    x_i = czI_ref[:, 2:3]
    dy = kmat_ref[0:1, :] - y_i
    dx = kmat_ref[1:2, :] - x_i
    d2 = dy * dy + dx * dx
    simc = (d2 <= CENTER2D_THRESH_SQ) & (kmat_ref[2:3, :] == bI_ref[...])
    simf = jnp.where(simc, 1.0, 0.0).astype(jnp.float32)
    cnt_ref[...] = jnp.sum(simf, axis=1, keepdims=True)


def _tcdense_body(czI_ref, bI_ref, kmat_ref, nms_ref):
    n = czI_ref.shape[0]
    y_i = czI_ref[:, 1:2]
    x_i = czI_ref[:, 2:3]
    dy = kmat_ref[0:1, :] - y_i
    dx = kmat_ref[1:2, :] - x_i
    d2 = dy * dy + dx * dx
    simc = (d2 <= CENTER2D_THRESH_SQ) & (kmat_ref[2:3, :] == bI_ref[...])
    simf = jnp.where(simc, 1.0, 0.0).astype(jnp.float32)
    score = simf * kmat_ref[3:4, :]
    rowmax = jnp.max(score, axis=1, keepdims=True)
    lane = lax.broadcasted_iota(jnp.int32, (n, n), 1)
    arg = jnp.min(jnp.where(score == rowmax, lane, n), axis=1, keepdims=True)
    ig = lax.broadcasted_iota(jnp.int32, (n, 1), 0)
    nms_ref[...] = jnp.where(arg == ig, 1.0, 0.0).astype(jnp.float32)


def _newton_sqrt(sq):
    bits = plsc.bitcast(sq, jnp.int32)
    y = plsc.bitcast(jnp.int32(0x5F3759DF) - (bits >> 1), jnp.float32)
    h = sq * 0.5
    y = y * (1.5 - h * y * y)
    y = y * (1.5 - h * y * y)
    y = y * (1.5 - h * y * y)
    return sq * y


def _sc_body(aa_hbm, kpack_hbm, out_hbm, kp_v, irow_v, rows_v, o_v, sem):
    wid = lax.axis_index("s") * 2 + lax.axis_index("c")
    base = wid * 32
    pltpu.sync_copy(kpack_hbm, kp_v)
    i16 = lax.iota(jnp.int32, 16)

    def make_row_body(g):
      def row_body(r, carry):
        i = base + g * 16 + r
        ivec = jnp.full((16,), i, jnp.int32)
        cntv = plsc.load_gather(kp_v, [ivec + 4 * _NKP])

        def _fix(_):
            yiv = plsc.load_gather(kp_v, [ivec])
            xiv = plsc.load_gather(kp_v, [ivec + _NKP])
            biv = plsc.load_gather(kp_v, [ivec + 2 * _NKP])
            pltpu.sync_copy(aa_hbm.at[i], irow_v)

            def chunk_body(c, carry):
                bestv, besti = carry
                k0 = c * 16
                kvec = i16 + k0
                dy = plsc.load_gather(kp_v, [kvec]) - yiv
                dx = plsc.load_gather(kp_v, [kvec + _NKP]) - xiv
                m = ((dy * dy + dx * dx) <= CENTER2D_THRESH_SQ) & \
                    (plsc.load_gather(kp_v, [kvec + 2 * _NKP]) == biv)
                mf = jnp.where(m, 1.0, 0.0).astype(jnp.float32)

                def pose(_):
                    pltpu.async_copy(aa_hbm.at[kvec], rows_v, sem).wait()

                    def joint_body(j, acc):
                        jv = jnp.full((16,), j, jnp.int32)
                        gx = plsc.load_gather(rows_v, [i16, jv])
                        gy = plsc.load_gather(rows_v, [i16, jv + 22])
                        gz = plsc.load_gather(rows_v, [i16, jv + 44])
                        dxv = gx - plsc.load_gather(irow_v, [jv])
                        dyv = gy - plsc.load_gather(irow_v, [jv + 22])
                        dzv = gz - plsc.load_gather(irow_v, [jv + 44])
                        sq = dxv * dxv + dyv * dyv + dzv * dzv + 1e-8
                        return acc + _newton_sqrt(sq)

                    acc = lax.fori_loop(0, N_JOINTS, joint_body,
                                        jnp.zeros((16,), jnp.float32))
                    pe = acc * (1.0 / N_JOINTS)
                    sim = m & (pe < POSE_THRESH)
                    sc = jnp.where(
                        sim, plsc.load_gather(kp_v, [kvec + 3 * _NKP]), 0.0)
                    cmax = jnp.max(sc)
                    iv = jnp.where(sc == cmax, kvec, jnp.int32(99999))
                    cidx = jnp.min(iv)
                    better = cmax > bestv
                    return (jnp.where(better, cmax, bestv),
                            jnp.where(better, cidx, besti))

                nany = plsc.all_reduce_population_count(m)
                return lax.cond(nany[0] > 0, pose,
                                lambda _: (bestv, besti), 0)

            bestv, besti = lax.fori_loop(0, _NKP // 16, chunk_body,
                                         (jnp.float32(0.0), jnp.int32(0)))
            return jnp.where(
                bestv > 0.0,
                jnp.where(besti == i, 1.0, 0.0),
                jnp.where(i == 0, 1.0, 0.0))

        nms = lax.cond(cntv[0] > 1.0, _fix,
                       lambda _: jnp.float32(0.0), 0)
        return jnp.where(lax.iota(jnp.int32, 16) == r, nms, carry)
      return row_body

    for g in range(2):
        v = lax.fori_loop(0, 16, make_row_body(g),
                          jnp.zeros((16,), jnp.float32))
        o_v[pl.ds(16 * g, 16)] = v
    pltpu.sync_copy(o_v, out_hbm.at[pl.ds(base, 32)])


def _tc2_body(par_ref, tsI_ref, cnt_ref, nmsA_ref, nmsB_ref,
              kp_ref, ks_ref, nms_ref):
    maskf = jnp.where(cnt_ref[...] > 1.0, nmsB_ref[...], nmsA_ref[...])
    kp_ref[...] = par_ref[...] * maskf
    ks_ref[...] = tsI_ref[...] * maskf
    nms_ref[...] = jnp.where(maskf > 0.0, 1, 0).astype(jnp.int32)


@jax.jit
def kernel(params_preds, pred_batch_ids, pred_czyxs, top_score):
    N, D = params_preds.shape
    f32 = jnp.float32
    J = N_JOINTS

    perm = [CAM_DIM + j * ROT_DIM + c for c in range(ROT_DIM) for j in range(J)]
    p6P = params_preds[:, jnp.array(perm, jnp.int32)].T

    czf = pred_czyxs.astype(f32)
    bf = pred_batch_ids.astype(f32)[:, None]
    tsI = top_score[:, None]
    kmat = jnp.concatenate(
        [czf[:, 1:2], czf[:, 2:3], bf, tsI], axis=1).T

    aaT, cnt = pl.pallas_call(
        _tc1_body,
        out_shape=[
            jax.ShapeDtypeStruct((3 * J, N), f32),
            jax.ShapeDtypeStruct((N, 1), f32),
        ],
    )(p6P, czf, bf, kmat)
    nms_tc = pl.pallas_call(
        _tcdense_body,
        out_shape=jax.ShapeDtypeStruct((N, 1), f32),
    )(czf, bf, kmat)

    aa2 = jnp.zeros((_NRP, 128), f32).at[:N, :3 * J].set(aaT.T)
    kpack = jnp.concatenate([
        jnp.stack([czf[:, 1], czf[:, 2], bf[:, 0], top_score, cnt[:, 0]]),
        jnp.tile(jnp.array([[0.0], [0.0], [-1.0], [0.0], [0.0]], f32),
                 (1, _NKP - N)),
    ], axis=1).reshape(-1)

    sc_fix = functools.partial(
        pl.kernel,
        out_type=jax.ShapeDtypeStruct((_NKP,), f32),
        compiler_params=pltpu.CompilerParams(
            needs_layout_passes=False, disable_bounds_checks=True,
            disable_semaphore_checks=True, skip_device_barrier=True),
        mesh=plsc.VectorSubcoreMesh(core_axis_name="c", subcore_axis_name="s"),
        scratch_types=[
            pltpu.VMEM((5 * _NKP,), f32),
            pltpu.VMEM((128,), f32),
            pltpu.VMEM((16, 128), f32),
            pltpu.VMEM((32,), f32),
            pltpu.SemaphoreType.DMA,
        ],
    )(_sc_body)
    nms_sc = sc_fix(aa2, kpack)

    kp, ks, nms = pl.pallas_call(
        _tc2_body,
        out_shape=[
            jax.ShapeDtypeStruct((N, D), f32),
            jax.ShapeDtypeStruct((N, 1), f32),
            jax.ShapeDtypeStruct((N, 1), jnp.int32),
        ],
    )(params_preds, tsI, cnt, nms_tc, nms_sc[:N, None])

    return kp, ks[:, 0], nms[:, 0].astype(jnp.bool_)

# --- scband reference (transcript-rebuilt; emitter-appended) ---
"""Pipeline reference for scband-result-parser-76141180223808 (READ-ONLY COPY).

The authoritative reference and input builder live on the scoring server;
editing this copy changes nothing except your own understanding.
"""

import jax, jax.numpy as jnp
import numpy as np

CAM_DIM = 3
ROT_DIM = 6
N_JOINTS = 22
CENTER2D_THRESH = 5.0
POSE_THRESH = 2.5

def rot6d_to_rotmat(x):
    a1 = x[..., 0:3]
    a2 = x[..., 3:6]
    b1 = a1 / (jnp.linalg.norm(a1, axis=-1, keepdims=True) + 1e-8)
    d = jnp.sum(b1 * a2, axis=-1, keepdims=True)
    b2u = a2 - d * b1
    b2 = b2u / (jnp.linalg.norm(b2u, axis=-1, keepdims=True) + 1e-8)
    b3 = jnp.cross(b1, b2)
    return jnp.stack([b1, b2, b3], axis=-1)

def rotmat_to_angle_axis(R):
    tr = R[..., 0, 0] + R[..., 1, 1] + R[..., 2, 2]
    cos = jnp.clip((tr - 1.0) * 0.5, -1.0 + 1e-6, 1.0 - 1e-6)
    ang = jnp.arccos(cos)
    ax = jnp.stack([R[..., 2, 1] - R[..., 1, 2], R[..., 0, 2] - R[..., 2, 0], R[..., 1, 0] - R[..., 0, 1]], axis=-1)
    ax = ax / (2.0 * jnp.sin(ang)[..., None] + 1e-8)
    return ax * ang[..., None]

def rot6d_to_angular(p):
    n = p.shape[0]
    R = rot6d_to_rotmat(p.reshape(n, N_JOINTS, 6))
    return rotmat_to_angle_axis(R)

def setup_inputs(seed: int = 0):
    key = jax.random.key(seed)
    k1, k2, k3, k4 = jax.random.split(key, 4)
    N = 1000
    D = CAM_DIM + N_JOINTS * ROT_DIM + 10
    params_preds = jax.random.normal(k1, (N, D), dtype=jnp.float32)
    pred_batch_ids = jax.random.randint(k2, (N,), 0, 64, dtype=jnp.int32)
    pred_czyxs = jax.random.randint(k3, (N, 3), 0, 128, dtype=jnp.int32)
    top_score = jax.random.uniform(k4, (N,), dtype=jnp.float32)
    return {"params_preds": params_preds, "pred_batch_ids": pred_batch_ids, "pred_czyxs": pred_czyxs, "top_score": top_score}

def reference(params_preds, pred_batch_ids, pred_czyxs, top_score):
    N = params_preds.shape[0]
    pose6d = params_preds[:, CAM_DIM:CAM_DIM + N_JOINTS * ROT_DIM]
    cz = pred_czyxs[:, 1:].astype(jnp.float32)
    diff = cz[:, None, :] - cz[None, :, :]
    center2d = jnp.sqrt(jnp.sum(diff * diff, axis=-1) + 1e-12)
    same_batch = pred_batch_ids[:, None] == pred_batch_ids[None, :]
    center2d = jnp.where(same_batch, center2d, CENTER2D_THRESH + 1.0)
    similarity = center2d <= CENTER2D_THRESH
    aa = rot6d_to_angular(pose6d)
    sq = jnp.sum(aa * aa, axis=-1)
    gram = jnp.einsum('ijd,kjd->ikj', aa, aa)
    d2 = sq[:, None, :] + sq[None, :, :] - 2.0 * gram
    pose_err = jnp.mean(jnp.sqrt(jnp.maximum(d2, 0.0) + 1e-8), axis=-1)
    needs = (jnp.sum(similarity, axis=-1) > 1)[:, None]
    similarity = jnp.where(needs & similarity, pose_err < POSE_THRESH, similarity)
    score_map = similarity.astype(top_score.dtype) * top_score[None, :]
    nms_inds = jnp.argmax(score_map, axis=1) == jnp.arange(N)
    mask = nms_inds.astype(params_preds.dtype)
    kept_params = params_preds * mask[:, None]
    kept_score = top_score * mask
    return kept_params, kept_score, nms_inds

if __name__ == "__main__":
    import jax
    _d = setup_inputs()
    print(jax.jit(kernel)(*tuple(_d.values())))

</pallas_src>

<mosaic_0001>
#map = affine_map<(d0, d1) -> (0, 0)>
#map1 = affine_map<(d0, d1) -> (0)>
module attributes {stable_mosaic.version = 14 : i64} {
  func.func @_sc_body(%arg0: i32, %arg1: i32, %arg2: memref<1008x128xf32, #tpu.memory_space<hbm>>, %arg3: memref<5120xf32, #tpu.memory_space<hbm>>, %arg4: memref<1024xf32, #tpu.memory_space<hbm>>, %arg5: memref<5120xf32, #tpu.memory_space<vmem>>, %arg6: memref<128xf32, #tpu.memory_space<vmem>>, %arg7: memref<16x128xf32, #tpu.memory_space<vmem>>, %arg8: memref<32xf32, #tpu.memory_space<vmem>>, %arg9: memref<!tpu.dma_semaphore, #tpu.memory_space<semaphore_mem>>) attributes {dimension_semantics = [#tpu.dimension_semantics<core_parallel>, #tpu.dimension_semantics<subcore_parallel>], iteration_bounds = array<i64: 2, 16>, scalar_prefetch = 0 : i64, scratch_operands = 5 : i64, tpu.core_type = #tpu.core_type<sc_vector_subcore>, window_params = [{transform_indices = #map}, {transform_indices = #map1}, {transform_indices = #map1}]} {
    %mul3A = arith.constant 2 : i32
    %mul3A_0 = arith.muli %arg1, %mul3A : i32
    %add3A = arith.addi %mul3A_0, %arg0 : i32
    %mul3A_1 = arith.constant 32 : i32
    %mul3A_2 = arith.muli %add3A, %mul3A_1 : i32
    "tpu.region"() ({
      %run_scoped3A = tpu.sem_alloc : memref<!tpu.dma_semaphore, #tpu.memory_space<semaphore_mem>>
      tpu.enqueue_dma source(%arg3 : memref<5120xf32, #tpu.memory_space<hbm>>) target(%arg5 : memref<5120xf32, #tpu.memory_space<vmem>>) target_semaphore(%run_scoped3A : memref<!tpu.dma_semaphore, #tpu.memory_space<semaphore_mem>>)
      tpu.wait_dma2 semaphore(%run_scoped3A : memref<!tpu.dma_semaphore, #tpu.memory_space<semaphore_mem>>) src(%arg3 : memref<5120xf32, #tpu.memory_space<hbm>>) dst(%arg5 : memref<5120xf32, #tpu.memory_space<vmem>>)
      tpu.yield
    }) : () -> ()
    %iota3A = tpu.iota {dimensions = array<i32: 0>} : vector<16xi32>
    %broadcast_in_dim3A = arith.constant 0.000000e+00 : f32
    %broadcast_in_dim3A_3 = vector.broadcast %broadcast_in_dim3A : f32 to vector<16xf32>
    %scan3A = arith.constant 0 : i32
    %scan3A_4 = arith.constant 16 : i32
    %scan3A_5 = arith.addi %scan3A, %scan3A_4 : i32
    %scan3A_6 = arith.constant 1 : i32
    %scan3A_7 = scf.for %scan3A_20 = %scan3A to %scan3A_5 step %scan3A_6 iter_args(%scan3A_21 = %broadcast_in_dim3A_3) -> (vector<16xf32>)  : i32 {
      %add3A_22 = arith.constant 0 : i32
      %add3A_23 = arith.addi %mul3A_2, %add3A_22 : i32
      %add3A_24 = arith.addi %add3A_23, %scan3A_20 : i32
      %broadcast_in_dim3A_25 = vector.broadcast %add3A_24 : i32 to vector<16xi32>
      %add3A_26 = arith.constant 4096 : i32
      %add3A_27 = vector.broadcast %add3A_26 : i32 to vector<16xi32>
      %add3A_28 = arith.addi %broadcast_in_dim3A_25, %add3A_27 : vector<16xi32>
      %gather3A = tpu.vector_load_idx %arg5[%add3A_28] : memref<5120xf32, #tpu.memory_space<vmem>>[vector<16xi32>], vector<16xf32>,
      %slice3A = vector.extract_strided_slice %gather3A {offsets = [0], sizes = [1], strides = [1]} : vector<16xf32> to vector<1xf32>
      %squeeze3A = vector.extract %slice3A[0] : f32 from vector<1xf32>
      %gt3A = arith.constant 1.000000e+00 : f32
      %gt3A_29 = arith.cmpf ogt, %squeeze3A, %gt3A : f32
      %convert_element_type3A = arith.extui %gt3A_29 : i1 to i32
      %cond3A = arith.constant 0 : i32
      %cond3A_30 = arith.constant 0 : i32
      %cond3A_31 = arith.cmpi ne, %convert_element_type3A, %cond3A_30 : i32
      %cond3A_32 = scf.if %cond3A_31 -> (f32) {
        %gather3A_36 = tpu.vector_load_idx %arg5[%broadcast_in_dim3A_25] : memref<5120xf32, #tpu.memory_space<vmem>>[vector<16xi32>], vector<16xf32>,
        %add3A_37 = arith.constant 1024 : i32
        %add3A_38 = vector.broadcast %add3A_37 : i32 to vector<16xi32>
        %add3A_39 = arith.addi %broadcast_in_dim3A_25, %add3A_38 : vector<16xi32>
        %gather3A_40 = tpu.vector_load_idx %arg5[%add3A_39] : memref<5120xf32, #tpu.memory_space<vmem>>[vector<16xi32>], vector<16xf32>,
        %add3A_41 = arith.constant 2048 : i32
        %add3A_42 = vector.broadcast %add3A_41 : i32 to vector<16xi32>
        %add3A_43 = arith.addi %broadcast_in_dim3A_25, %add3A_42 : vector<16xi32>
        %gather3A_44 = tpu.vector_load_idx %arg5[%add3A_43] : memref<5120xf32, #tpu.memory_space<vmem>>[vector<16xi32>], vector<16xf32>,
        "tpu.region"() ({
          %run_scoped3A = tpu.sem_alloc : memref<!tpu.dma_semaphore, #tpu.memory_space<semaphore_mem>>
          %dma_start3A = arith.constant 0 : i32
          %dma_start3A_64 = tpu.memref_slice %arg2[%add3A_24, %dma_start3A] : memref<1008x128xf32, #tpu.memory_space<hbm>> -> memref<1x128xf32, #tpu.memory_space<hbm>>
          %dma_start3A_65 = tpu.memref_squeeze %dma_start3A_64 : memref<1x128xf32, #tpu.memory_space<hbm>> -> memref<128xf32, #tpu.memory_space<hbm>>
          %dma_start3A_66 = arith.constant 0 : i32
          %dma_start3A_67 = tpu.memref_slice %arg2[%add3A_24, %dma_start3A_66] : memref<1008x128xf32, #tpu.memory_space<hbm>> -> memref<1x128xf32, #tpu.memory_space<hbm>>
          %dma_start3A_68 = tpu.memref_squeeze %dma_start3A_67 : memref<1x128xf32, #tpu.memory_space<hbm>> -> memref<128xf32, #tpu.memory_space<hbm>>
          tpu.enqueue_dma source(%dma_start3A_68 : memref<128xf32, #tpu.memory_space<hbm>>) target(%arg6 : memref<128xf32, #tpu.memory_space<vmem>>) target_semaphore(%run_scoped3A : memref<!tpu.dma_semaphore, #tpu.memory_space<semaphore_mem>>)
          %dma_wait3A = arith.constant 0 : i32
          %dma_wait3A_69 = tpu.memref_slice %arg2[%add3A_24, %dma_wait3A] : memref<1008x128xf32, #tpu.memory_space<hbm>> -> memref<1x128xf32, #tpu.memory_space<hbm>>
          %dma_wait3A_70 = tpu.memref_squeeze %dma_wait3A_69 : memref<1x128xf32, #tpu.memory_space<hbm>> -> memref<128xf32, #tpu.memory_space<hbm>>
          %dma_wait3A_71 = arith.constant 0 : i32
          %dma_wait3A_72 = tpu.memref_slice %arg2[%add3A_24, %dma_wait3A_71] : memref<1008x128xf32, #tpu.memory_space<hbm>> -> memref<1x128xf32, #tpu.memory_space<hbm>>
          %dma_wait3A_73 = tpu.memref_squeeze %dma_wait3A_72 : memref<1x128xf32, #tpu.memory_space<hbm>> -> memref<128xf32, #tpu.memory_space<hbm>>
          tpu.wait_dma2 semaphore(%run_scoped3A : memref<!tpu.dma_semaphore, #tpu.memory_space<semaphore_mem>>) src(%dma_wait3A_73 : memref<128xf32, #tpu.memory_space<hbm>>) dst(%arg6 : memref<128xf32, #tpu.memory_space<vmem>>)
          tpu.yield
        }) : () -> ()
        %scan3A_45 = arith.constant 0.000000e+00 : f32
        %scan3A_46 = arith.constant 0 : i32
        %scan3A_47 = arith.constant 0 : i32
        %scan3A_48 = arith.constant 64 : i32
        %scan3A_49 = arith.addi %scan3A_47, %scan3A_48 : i32
        %scan3A_50 = arith.constant 1 : i32
        %scan3A_51:2 = scf.for %scan3A_64 = %scan3A_47 to %scan3A_49 step %scan3A_50 iter_args(%scan3A_65 = %scan3A_45, %scan3A_66 = %scan3A_46) -> (f32, i32)  : i32 {
          %mul3A_67 = arith.constant 16 : i32
          %mul3A_68 = arith.muli %scan3A_64, %mul3A_67 : i32
          %add3A_69 = vector.broadcast %mul3A_68 : i32 to vector<16xi32>
          %add3A_70 = arith.addi %iota3A, %add3A_69 : vector<16xi32>
          %gather3A_71 = tpu.vector_load_idx %arg5[%add3A_70] : memref<5120xf32, #tpu.memory_space<vmem>>[vector<16xi32>], vector<16xf32>,
          %sub3A = arith.subf %gather3A_71, %gather3A_36 : vector<16xf32>
          %add3A_72 = arith.constant 1024 : i32
          %add3A_73 = vector.broadcast %add3A_72 : i32 to vector<16xi32>
          %add3A_74 = arith.addi %add3A_70, %add3A_73 : vector<16xi32>
          %gather3A_75 = tpu.vector_load_idx %arg5[%add3A_74] : memref<5120xf32, #tpu.memory_space<vmem>>[vector<16xi32>], vector<16xf32>,
          %sub3A_76 = arith.subf %gather3A_75, %gather3A_40 : vector<16xf32>
          %mul3A_77 = arith.mulf %sub3A, %sub3A : vector<16xf32>
          %mul3A_78 = arith.mulf %sub3A_76, %sub3A_76 : vector<16xf32>
          %add3A_79 = arith.addf %mul3A_77, %mul3A_78 : vector<16xf32>
          %le3A = arith.constant 2.500000e+01 : f32
          %le3A_80 = vector.broadcast %le3A : f32 to vector<16xf32>
          %le3A_81 = arith.cmpf ole, %add3A_79, %le3A_80 : vector<16xf32>
          %add3A_82 = arith.constant 2048 : i32
          %add3A_83 = vector.broadcast %add3A_82 : i32 to vector<16xi32>
          %add3A_84 = arith.addi %add3A_70, %add3A_83 : vector<16xi32>
          %gather3A_85 = tpu.vector_load_idx %arg5[%add3A_84] : memref<5120xf32, #tpu.memory_space<vmem>>[vector<16xi32>], vector<16xf32>,
          %eq3A_86 = arith.cmpf oeq, %gather3A_85, %gather3A_44 : vector<16xf32>
          %and3A = arith.andi %le3A_81, %eq3A_86 : vector<16xi1>
          %jit3A_87 = arith.constant 1.000000e+00 : f32
          %jit3A_88 = arith.constant 0.000000e+00 : f32
          %broadcast_in_dim3A_89 = vector.broadcast %jit3A_87 : f32 to vector<16xf32>
          %broadcast_in_dim3A_90 = vector.broadcast %jit3A_88 : f32 to vector<16xf32>
          %select_n3A_91 = arith.select %and3A, %broadcast_in_dim3A_89, %broadcast_in_dim3A_90 : vector<16xi1>, vector<16xf32>
          %all_reduce_population_count3A = tpu.all_reduce %and3A {dim = 0 : i64, kind = #tpu.reduction_kind<sum>} : vector<16xi1> -> vector<16xi32>
          %slice3A_92 = vector.extract_strided_slice %all_reduce_population_count3A {offsets = [0], sizes = [1], strides = [1]} : vector<16xi32> to vector<1xi32>
          %squeeze3A_93 = vector.extract %slice3A_92[0] : i32 from vector<1xi32>
          %gt3A_94 = arith.constant 0 : i32
          %gt3A_95 = arith.cmpi sgt, %squeeze3A_93, %gt3A_94 : i32
          %convert_element_type3A_96 = arith.extui %gt3A_95 : i1 to i32
          %cond3A_97 = arith.constant 0 : i32
          %cond3A_98 = arith.constant 0 : i32
          %cond3A_99 = arith.cmpi ne, %convert_element_type3A_96, %cond3A_98 : i32
          %cond3A_100:2 = scf.if %cond3A_99 -> (f32, i32) {
            %dma_start3A = arith.constant 0 : i32
            %dma_start3A_101 = arith.constant 0 : i32
            %dma_start3A_102 = tpu.memref_slice %arg2[%dma_start3A, %dma_start3A_101] : memref<1008x128xf32, #tpu.memory_space<hbm>> -> memref<1008x128xf32, #tpu.memory_space<hbm>>
            tpu.enqueue_indirect_dma source(%dma_start3A_102 : memref<1008x128xf32, #tpu.memory_space<hbm>>) target(%arg7 : memref<16x128xf32, #tpu.memory_space<vmem>>) offsets(%add3A_70 : vector<16xi32>) semaphore(%arg9 : memref<!tpu.dma_semaphore, #tpu.memory_space<semaphore_mem>>)
            %dma_wait3A = arith.constant 0 : i32
            %dma_wait3A_103 = arith.constant 0 : i32
            %dma_wait3A_104 = tpu.memref_slice %arg2[%dma_wait3A, %dma_wait3A_103] : memref<1008x128xf32, #tpu.memory_space<hbm>> -> memref<1008x128xf32, #tpu.memory_space<hbm>>
            tpu.wait_indirect_dma semaphore(%arg9 : memref<!tpu.dma_semaphore, #tpu.memory_space<semaphore_mem>>) src(%dma_wait3A_104 : memref<1008x128xf32, #tpu.memory_space<hbm>>) dst(%arg7 : memref<16x128xf32, #tpu.memory_space<vmem>>)
            %broadcast_in_dim3A_105 = arith.constant 0.000000e+00 : f32
            %broadcast_in_dim3A_106 = vector.broadcast %broadcast_in_dim3A_105 : f32 to vector<16xf32>
            %scan3A_107 = arith.constant 0 : i32
            %scan3A_108 = arith.constant 22 : i32
            %scan3A_109 = arith.addi %scan3A_107, %scan3A_108 : i32
            %scan3A_110 = arith.constant 1 : i32
            %scan3A_111 = scf.for %scan3A_144 = %scan3A_107 to %scan3A_109 step %scan3A_110 iter_args(%scan3A_145 = %broadcast_in_dim3A_106) -> (vector<16xf32>)  : i32 {
              %broadcast_in_dim3A_146 = vector.broadcast %scan3A_144 : i32 to vector<16xi32>
              %gather3A_147 = tpu.vector_load_idx %arg7[%iota3A, %broadcast_in_dim3A_146] : memref<16x128xf32, #tpu.memory_space<vmem>>[vector<16xi32>, vector<16xi32>], vector<16xf32>,
              %add3A_148 = arith.constant 22 : i32
              %add3A_149 = vector.broadcast %add3A_148 : i32 to vector<16xi32>
              %add3A_150 = arith.addi %broadcast_in_dim3A_146, %add3A_149 : vector<16xi32>
              %gather3A_151 = tpu.vector_load_idx %arg7[%iota3A, %add3A_150] : memref<16x128xf32, #tpu.memory_space<vmem>>[vector<16xi32>, vector<16xi32>], vector<16xf32>,
              %add3A_152 = arith.constant 44 : i32
              %add3A_153 = vector.broadcast %add3A_152 : i32 to vector<16xi32>
              %add3A_154 = arith.addi %broadcast_in_dim3A_146, %add3A_153 : vector<16xi32>
              %gather3A_155 = tpu.vector_load_idx %arg7[%iota3A, %add3A_154] : memref<16x128xf32, #tpu.memory_space<vmem>>[vector<16xi32>, vector<16xi32>], vector<16xf32>,
              %gather3A_156 = tpu.vector_load_idx %arg6[%broadcast_in_dim3A_146] : memref<128xf32, #tpu.memory_space<vmem>>[vector<16xi32>], vector<16xf32>,
              %sub3A_157 = arith.subf %gather3A_147, %gather3A_156 : vector<16xf32>
              %add3A_158 = arith.constant 22 : i32
              %add3A_159 = vector.broadcast %add3A_158 : i32 to vector<16xi32>
              %add3A_160 = arith.addi %broadcast_in_dim3A_146, %add3A_159 : vector<16xi32>
              %gather3A_161 = tpu.vector_load_idx %arg6[%add3A_160] : memref<128xf32, #tpu.memory_space<vmem>>[vector<16xi32>], vector<16xf32>,
              %sub3A_162 = arith.subf %gather3A_151, %gather3A_161 : vector<16xf32>
              %add3A_163 = arith.constant 44 : i32
              %add3A_164 = vector.broadcast %add3A_163 : i32 to vector<16xi32>
              %add3A_165 = arith.addi %broadcast_in_dim3A_146, %add3A_164 : vector<16xi32>
              %gather3A_166 = tpu.vector_load_idx %arg6[%add3A_165] : memref<128xf32, #tpu.memory_space<vmem>>[vector<16xi32>], vector<16xf32>,
              %sub3A_167 = arith.subf %gather3A_155, %gather3A_166 : vector<16xf32>
              %mul3A_168 = arith.mulf %sub3A_157, %sub3A_157 : vector<16xf32>
              %mul3A_169 = arith.mulf %sub3A_162, %sub3A_162 : vector<16xf32>
              %add3A_170 = arith.addf %mul3A_168, %mul3A_169 : vector<16xf32>
              %mul3A_171 = arith.mulf %sub3A_167, %sub3A_167 : vector<16xf32>
              %add3A_172 = arith.addf %add3A_170, %mul3A_171 : vector<16xf32>
              %add3A_173 = arith.constant 9.99999993E-9 : f32
              %add3A_174 = vector.broadcast %add3A_173 : f32 to vector<16xf32>
              %add3A_175 = arith.addf %add3A_172, %add3A_174 : vector<16xf32>
              %bitcast3A = vector.bitcast %add3A_175 : vector<16xf32> to vector<16xi32>
              %shift_right_arithmetic3A = arith.constant 1 : i32
              %shift_right_arithmetic3A_176 = vector.broadcast %shift_right_arithmetic3A : i32 to vector<16xi32>
              %shift_right_arithmetic3A_177 = arith.shrsi %bitcast3A, %shift_right_arithmetic3A_176 : vector<16xi32>
              %sub3A_178 = arith.constant 1597463007 : i32
              %sub3A_179 = vector.broadcast %sub3A_178 : i32 to vector<16xi32>
              %sub3A_180 = arith.subi %sub3A_179, %shift_right_arithmetic3A_177 : vector<16xi32>
              %bitcast3A_181 = vector.bitcast %sub3A_180 : vector<16xi32> to vector<16xf32>
              %mul3A_182 = arith.constant 5.000000e-01 : f32
              %mul3A_183 = vector.broadcast %mul3A_182 : f32 to vector<16xf32>
              %mul3A_184 = arith.mulf %add3A_175, %mul3A_183 : vector<16xf32>
              %mul3A_185 = arith.mulf %mul3A_184, %bitcast3A_181 : vector<16xf32>
              %mul3A_186 = arith.mulf %mul3A_185, %bitcast3A_181 : vector<16xf32>
              %sub3A_187 = arith.constant 1.500000e+00 : f32
              %sub3A_188 = vector.broadcast %sub3A_187 : f32 to vector<16xf32>
              %sub3A_189 = arith.subf %sub3A_188, %mul3A_186 : vector<16xf32>
              %mul3A_190 = arith.mulf %bitcast3A_181, %sub3A_189 : vector<16xf32>
              %mul3A_191 = arith.mulf %mul3A_184, %mul3A_190 : vector<16xf32>
              %mul3A_192 = arith.mulf %mul3A_191, %mul3A_190 : vector<16xf32>
              %sub3A_193 = arith.constant 1.500000e+00 : f32
              %sub3A_194 = vector.broadcast %sub3A_193 : f32 to vector<16xf32>
              %sub3A_195 = arith.subf %sub3A_194, %mul3A_192 : vector<16xf32>
              %mul3A_196 = arith.mulf %mul3A_190, %sub3A_195 : vector<16xf32>
              %mul3A_197 = arith.mulf %mul3A_184, %mul3A_196 : vector<16xf32>
              %mul3A_198 = arith.mulf %mul3A_197, %mul3A_196 : vector<16xf32>
              %sub3A_199 = arith.constant 1.500000e+00 : f32
              %sub3A_200 = vector.broadcast %sub3A_199 : f32 to vector<16xf32>
              %sub3A_201 = arith.subf %sub3A_200, %mul3A_198 : vector<16xf32>
              %mul3A_202 = arith.mulf %mul3A_196, %sub3A_201 : vector<16xf32>
              %mul3A_203 = arith.mulf %add3A_175, %mul3A_202 : vector<16xf32>
              %add3A_204 = arith.addf %scan3A_145, %mul3A_203 : vector<16xf32>
              scf.yield %add3A_204 : vector<16xf32>
            }
            %scan3A_112 = arith.constant 22 : i32
            %mul3A_113 = arith.constant 0.0454545468 : f32
            %mul3A_114 = vector.broadcast %mul3A_113 : f32 to vector<16xf32>
            %mul3A_115 = arith.mulf %scan3A_111, %mul3A_114 : vector<16xf32>
            %lt3A = arith.constant 2.500000e+00 : f32
            %lt3A_116 = vector.broadcast %lt3A : f32 to vector<16xf32>
            %lt3A_117 = arith.cmpf olt, %mul3A_115, %lt3A_116 : vector<16xf32>
            %and3A_118 = arith.andi %and3A, %lt3A_117 : vector<16xi1>
            %add3A_119 = arith.constant 3072 : i32
            %add3A_120 = vector.broadcast %add3A_119 : i32 to vector<16xi32>
            %add3A_121 = arith.addi %add3A_70, %add3A_120 : vector<16xi32>
            %gather3A_122 = tpu.vector_load_idx %arg5[%add3A_121] : memref<5120xf32, #tpu.memory_space<vmem>>[vector<16xi32>], vector<16xf32>,
            %jit3A_123 = arith.constant 0.000000e+00 : f32
            %broadcast_in_dim3A_124 = vector.broadcast %jit3A_123 : f32 to vector<16xf32>
            %select_n3A_125 = arith.select %and3A_118, %gather3A_122, %broadcast_in_dim3A_124 : vector<16xi1>, vector<16xf32>
            %reduce_max3A = arith.constant true
            %reduce_max3A_126 = vector.broadcast %reduce_max3A : i1 to vector<16xi1>
            %reduce_max3A_127 = tpu.scan <max>, %select_n3A_125 masked %reduce_max3A_126 : vector<16xf32>, vector<16xi1> -> vector<16xf32>
            %reduce_max3A_128 = vector.extract %reduce_max3A_127[15] : f32 from vector<16xf32>
            %eq3A_129 = vector.broadcast %reduce_max3A_128 : f32 to vector<16xf32>
            %eq3A_130 = arith.cmpf oeq, %select_n3A_125, %eq3A_129 : vector<16xf32>
            %jit3A_131 = arith.constant 99999 : i32
            %broadcast_in_dim3A_132 = vector.broadcast %jit3A_131 : i32 to vector<16xi32>
            %select_n3A_133 = arith.select %eq3A_130, %add3A_70, %broadcast_in_dim3A_132 : vector<16xi1>, vector<16xi32>
            %reduce_min3A = arith.constant true
            %reduce_min3A_134 = vector.broadcast %reduce_min3A : i1 to vector<16xi1>
            %reduce_min3A_135 = arith.constant -2147483648 : i32
            %reduce_min3A_136 = vector.broadcast %reduce_min3A_135 : i32 to vector<16xi32>
            %reduce_min3A_137 = arith.xori %select_n3A_133, %reduce_min3A_136 : vector<16xi32>
            %reduce_min3A_138 = tpu.scan <min>, %reduce_min3A_137 masked %reduce_min3A_134 : vector<16xi32>, vector<16xi1> -> vector<16xi32>
            %reduce_min3A_139 = arith.xori %reduce_min3A_138, %reduce_min3A_136 : vector<16xi32>
            %reduce_min3A_140 = vector.extract %reduce_min3A_139[15] : i32 from vector<16xi32>
            %gt3A_141 = arith.cmpf ogt, %reduce_max3A_128, %scan3A_65 : f32
            %select_n3A_142 = arith.select %gt3A_141, %reduce_max3A_128, %scan3A_65 : f32
            %select_n3A_143 = arith.select %gt3A_141, %reduce_min3A_140, %scan3A_66 : i32
            scf.yield %select_n3A_142, %select_n3A_143 : f32, i32
          } else {
            scf.yield %scan3A_65, %scan3A_66 : f32, i32
          }
          scf.yield %cond3A_100#0, %cond3A_100#1 : f32, i32
        }
        %scan3A_52 = arith.constant 64 : i32
        %gt3A_53 = arith.constant 0.000000e+00 : f32
        %gt3A_54 = arith.cmpf ogt, %scan3A_51#0, %gt3A_53 : f32
        %eq3A_55 = arith.cmpi eq, %scan3A_51#1, %add3A_24 : i32
        %jit3A = arith.constant 1.000000e+00 : f32
        %jit3A_56 = arith.constant 0.000000e+00 : f32
        %select_n3A_57 = arith.select %eq3A_55, %jit3A, %jit3A_56 : f32
        %eq3A_58 = arith.constant 0 : i32
        %eq3A_59 = arith.cmpi eq, %add3A_24, %eq3A_58 : i32
        %jit3A_60 = arith.constant 1.000000e+00 : f32
        %jit3A_61 = arith.constant 0.000000e+00 : f32
        %select_n3A_62 = arith.select %eq3A_59, %jit3A_60, %jit3A_61 : f32
        %select_n3A_63 = arith.select %gt3A_54, %select_n3A_57, %select_n3A_62 : f32
        scf.yield %select_n3A_63 : f32
      } else {
        %cond3A_36 = arith.constant 0.000000e+00 : f32
        scf.yield %cond3A_36 : f32
      }
      %iota3A_33 = tpu.iota {dimensions = array<i32: 0>} : vector<16xi32>
      %eq3A = vector.broadcast %scan3A_20 : i32 to vector<16xi32>
      %eq3A_34 = arith.cmpi eq, %iota3A_33, %eq3A : vector<16xi32>
      %broadcast_in_dim3A_35 = vector.broadcast %cond3A_32 : f32 to vector<16xf32>
      %select_n3A = arith.select %eq3A_34, %broadcast_in_dim3A_35, %scan3A_21 : vector<16xi1>, vector<16xf32>
      scf.yield %select_n3A : vector<16xf32>
    }
    %scan3A_8 = arith.constant 16 : i32
    %swap3A = arith.constant 0 : index
    %swap3A_9 = tpu.vector_load %arg8[%swap3A] {strides = array<i32>} : memref<32xf32, #tpu.memory_space<vmem>>, vector<16xf32>,
    tpu.vector_store %arg8[%swap3A], %scan3A_7 {strides = array<i32>} : memref<32xf32, #tpu.memory_space<vmem>>, vector<16xf32>,
    %broadcast_in_dim3A_10 = arith.constant 0.000000e+00 : f32
    %broadcast_in_dim3A_11 = vector.broadcast %broadcast_in_dim3A_10 : f32 to vector<16xf32>
    %scan3A_12 = arith.constant 0 : i32
    %scan3A_13 = arith.constant 16 : i32
    %scan3A_14 = arith.addi %scan3A_12, %scan3A_13 : i32
    %scan3A_15 = arith.constant 1 : i32
    %scan3A_16 = scf.for %scan3A_20 = %scan3A_12 to %scan3A_14 step %scan3A_15 iter_args(%scan3A_21 = %broadcast_in_dim3A_11) -> (vector<16xf32>)  : i32 {
      %add3A_22 = arith.constant 16 : i32
      %add3A_23 = arith.addi %mul3A_2, %add3A_22 : i32
      %add3A_24 = arith.addi %add3A_23, %scan3A_20 : i32
      %broadcast_in_dim3A_25 = vector.broadcast %add3A_24 : i32 to vector<16xi32>
      %add3A_26 = arith.constant 4096 : i32
      %add3A_27 = vector.broadcast %add3A_26 : i32 to vector<16xi32>
      %add3A_28 = arith.addi %broadcast_in_dim3A_25, %add3A_27 : vector<16xi32>
      %gather3A = tpu.vector_load_idx %arg5[%add3A_28] : memref<5120xf32, #tpu.memory_space<vmem>>[vector<16xi32>], vector<16xf32>,
      %slice3A = vector.extract_strided_slice %gather3A {offsets = [0], sizes = [1], strides = [1]} : vector<16xf32> to vector<1xf32>
      %squeeze3A = vector.extract %slice3A[0] : f32 from vector<1xf32>
      %gt3A = arith.constant 1.000000e+00 : f32
      %gt3A_29 = arith.cmpf ogt, %squeeze3A, %gt3A : f32
      %convert_element_type3A = arith.extui %gt3A_29 : i1 to i32
      %cond3A = arith.constant 0 : i32
      %cond3A_30 = arith.constant 0 : i32
      %cond3A_31 = arith.cmpi ne, %convert_element_type3A, %cond3A_30 : i32
      %cond3A_32 = scf.if %cond3A_31 -> (f32) {
        %gather3A_36 = tpu.vector_load_idx %arg5[%broadcast_in_dim3A_25] : memref<5120xf32, #tpu.memory_space<vmem>>[vector<16xi32>], vector<16xf32>,
        %add3A_37 = arith.constant 1024 : i32
        %add3A_38 = vector.broadcast %add3A_37 : i32 to vector<16xi32>
        %add3A_39 = arith.addi %broadcast_in_dim3A_25, %add3A_38 : vector<16xi32>
        %gather3A_40 = tpu.vector_load_idx %arg5[%add3A_39] : memref<5120xf32, #tpu.memory_space<vmem>>[vector<16xi32>], vector<16xf32>,
        %add3A_41 = arith.constant 2048 : i32
        %add3A_42 = vector.broadcast %add3A_41 : i32 to vector<16xi32>
        %add3A_43 = arith.addi %broadcast_in_dim3A_25, %add3A_42 : vector<16xi32>
        %gather3A_44 = tpu.vector_load_idx %arg5[%add3A_43] : memref<5120xf32, #tpu.memory_space<vmem>>[vector<16xi32>], vector<16xf32>,
        "tpu.region"() ({
          %run_scoped3A = tpu.sem_alloc : memref<!tpu.dma_semaphore, #tpu.memory_space<semaphore_mem>>
          %dma_start3A = arith.constant 0 : i32
          %dma_start3A_64 = tpu.memref_slice %arg2[%add3A_24, %dma_start3A] : memref<1008x128xf32, #tpu.memory_space<hbm>> -> memref<1x128xf32, #tpu.memory_space<hbm>>
          %dma_start3A_65 = tpu.memref_squeeze %dma_start3A_64 : memref<1x128xf32, #tpu.memory_space<hbm>> -> memref<128xf32, #tpu.memory_space<hbm>>
          %dma_start3A_66 = arith.constant 0 : i32
          %dma_start3A_67 = tpu.memref_slice %arg2[%add3A_24, %dma_start3A_66] : memref<1008x128xf32, #tpu.memory_space<hbm>> -> memref<1x128xf32, #tpu.memory_space<hbm>>
          %dma_start3A_68 = tpu.memref_squeeze %dma_start3A_67 : memref<1x128xf32, #tpu.memory_space<hbm>> -> memref<128xf32, #tpu.memory_space<hbm>>
          tpu.enqueue_dma source(%dma_start3A_68 : memref<128xf32, #tpu.memory_space<hbm>>) target(%arg6 : memref<128xf32, #tpu.memory_space<vmem>>) target_semaphore(%run_scoped3A : memref<!tpu.dma_semaphore, #tpu.memory_space<semaphore_mem>>)
          %dma_wait3A = arith.constant 0 : i32
          %dma_wait3A_69 = tpu.memref_slice %arg2[%add3A_24, %dma_wait3A] : memref<1008x128xf32, #tpu.memory_space<hbm>> -> memref<1x128xf32, #tpu.memory_space<hbm>>
          %dma_wait3A_70 = tpu.memref_squeeze %dma_wait3A_69 : memref<1x128xf32, #tpu.memory_space<hbm>> -> memref<128xf32, #tpu.memory_space<hbm>>
          %dma_wait3A_71 = arith.constant 0 : i32
          %dma_wait3A_72 = tpu.memref_slice %arg2[%add3A_24, %dma_wait3A_71] : memref<1008x128xf32, #tpu.memory_space<hbm>> -> memref<1x128xf32, #tpu.memory_space<hbm>>
          %dma_wait3A_73 = tpu.memref_squeeze %dma_wait3A_72 : memref<1x128xf32, #tpu.memory_space<hbm>> -> memref<128xf32, #tpu.memory_space<hbm>>
          tpu.wait_dma2 semaphore(%run_scoped3A : memref<!tpu.dma_semaphore, #tpu.memory_space<semaphore_mem>>) src(%dma_wait3A_73 : memref<128xf32, #tpu.memory_space<hbm>>) dst(%arg6 : memref<128xf32, #tpu.memory_space<vmem>>)
          tpu.yield
        }) : () -> ()
        %scan3A_45 = arith.constant 0.000000e+00 : f32
        %scan3A_46 = arith.constant 0 : i32
        %scan3A_47 = arith.constant 0 : i32
        %scan3A_48 = arith.constant 64 : i32
        %scan3A_49 = arith.addi %scan3A_47, %scan3A_48 : i32
        %scan3A_50 = arith.constant 1 : i32
        %scan3A_51:2 = scf.for %scan3A_64 = %scan3A_47 to %scan3A_49 step %scan3A_50 iter_args(%scan3A_65 = %scan3A_45, %scan3A_66 = %scan3A_46) -> (f32, i32)  : i32 {
          %mul3A_67 = arith.constant 16 : i32
          %mul3A_68 = arith.muli %scan3A_64, %mul3A_67 : i32
          %add3A_69 = vector.broadcast %mul3A_68 : i32 to vector<16xi32>
          %add3A_70 = arith.addi %iota3A, %add3A_69 : vector<16xi32>
          %gather3A_71 = tpu.vector_load_idx %arg5[%add3A_70] : memref<5120xf32, #tpu.memory_space<vmem>>[vector<16xi32>], vector<16xf32>,
          %sub3A = arith.subf %gather3A_71, %gather3A_36 : vector<16xf32>
          %add3A_72 = arith.constant 1024 : i32
          %add3A_73 = vector.broadcast %add3A_72 : i32 to vector<16xi32>
          %add3A_74 = arith.addi %add3A_70, %add3A_73 : vector<16xi32>
          %gather3A_75 = tpu.vector_load_idx %arg5[%add3A_74] : memref<5120xf32, #tpu.memory_space<vmem>>[vector<16xi32>], vector<16xf32>,
          %sub3A_76 = arith.subf %gather3A_75, %gather3A_40 : vector<16xf32>
          %mul3A_77 = arith.mulf %sub3A, %sub3A : vector<16xf32>
          %mul3A_78 = arith.mulf %sub3A_76, %sub3A_76 : vector<16xf32>
          %add3A_79 = arith.addf %mul3A_77, %mul3A_78 : vector<16xf32>
          %le3A = arith.constant 2.500000e+01 : f32
          %le3A_80 = vector.broadcast %le3A : f32 to vector<16xf32>
          %le3A_81 = arith.cmpf ole, %add3A_79, %le3A_80 : vector<16xf32>
          %add3A_82 = arith.constant 2048 : i32
          %add3A_83 = vector.broadcast %add3A_82 : i32 to vector<16xi32>
          %add3A_84 = arith.addi %add3A_70, %add3A_83 : vector<16xi32>
          %gather3A_85 = tpu.vector_load_idx %arg5[%add3A_84] : memref<5120xf32, #tpu.memory_space<vmem>>[vector<16xi32>], vector<16xf32>,
          %eq3A_86 = arith.cmpf oeq, %gather3A_85, %gather3A_44 : vector<16xf32>
          %and3A = arith.andi %le3A_81, %eq3A_86 : vector<16xi1>
          %jit3A_87 = arith.constant 1.000000e+00 : f32
          %jit3A_88 = arith.constant 0.000000e+00 : f32
          %broadcast_in_dim3A_89 = vector.broadcast %jit3A_87 : f32 to vector<16xf32>
          %broadcast_in_dim3A_90 = vector.broadcast %jit3A_88 : f32 to vector<16xf32>
          %select_n3A_91 = arith.select %and3A, %broadcast_in_dim3A_89, %broadcast_in_dim3A_90 : vector<16xi1>, vector<16xf32>
          %all_reduce_population_count3A = tpu.all_reduce %and3A {dim = 0 : i64, kind = #tpu.reduction_kind<sum>} : vector<16xi1> -> vector<16xi32>
          %slice3A_92 = vector.extract_strided_slice %all_reduce_population_count3A {offsets = [0], sizes = [1], strides = [1]} : vector<16xi32> to vector<1xi32>
          %squeeze3A_93 = vector.extract %slice3A_92[0] : i32 from vector<1xi32>
          %gt3A_94 = arith.constant 0 : i32
          %gt3A_95 = arith.cmpi sgt, %squeeze3A_93, %gt3A_94 : i32
          %convert_element_type3A_96 = arith.extui %gt3A_95 : i1 to i32
          %cond3A_97 = arith.constant 0 : i32
          %cond3A_98 = arith.constant 0 : i32
          %cond3A_99 = arith.cmpi ne, %convert_element_type3A_96, %cond3A_98 : i32
          %cond3A_100:2 = scf.if %cond3A_99 -> (f32, i32) {
            %dma_start3A = arith.constant 0 : i32
            %dma_start3A_101 = arith.constant 0 : i32
            %dma_start3A_102 = tpu.memref_slice %arg2[%dma_start3A, %dma_start3A_101] : memref<1008x128xf32, #tpu.memory_space<hbm>> -> memref<1008x128xf32, #tpu.memory_space<hbm>>
            tpu.enqueue_indirect_dma source(%dma_start3A_102 : memref<1008x128xf32, #tpu.memory_space<hbm>>) target(%arg7 : memref<16x128xf32, #tpu.memory_space<vmem>>) offsets(%add3A_70 : vector<16xi32>) semaphore(%arg9 : memref<!tpu.dma_semaphore, #tpu.memory_space<semaphore_mem>>)
            %dma_wait3A = arith.constant 0 : i32
            %dma_wait3A_103 = arith.constant 0 : i32
            %dma_wait3A_104 = tpu.memref_slice %arg2[%dma_wait3A, %dma_wait3A_103] : memref<1008x128xf32, #tpu.memory_space<hbm>> -> memref<1008x128xf32, #tpu.memory_space<hbm>>
            tpu.wait_indirect_dma semaphore(%arg9 : memref<!tpu.dma_semaphore, #tpu.memory_space<semaphore_mem>>) src(%dma_wait3A_104 : memref<1008x128xf32, #tpu.memory_space<hbm>>) dst(%arg7 : memref<16x128xf32, #tpu.memory_space<vmem>>)
            %broadcast_in_dim3A_105 = arith.constant 0.000000e+00 : f32
            %broadcast_in_dim3A_106 = vector.broadcast %broadcast_in_dim3A_105 : f32 to vector<16xf32>
            %scan3A_107 = arith.constant 0 : i32
            %scan3A_108 = arith.constant 22 : i32
            %scan3A_109 = arith.addi %scan3A_107, %scan3A_108 : i32
            %scan3A_110 = arith.constant 1 : i32
            %scan3A_111 = scf.for %scan3A_144 = %scan3A_107 to %scan3A_109 step %scan3A_110 iter_args(%scan3A_145 = %broadcast_in_dim3A_106) -> (vector<16xf32>)  : i32 {
              %broadcast_in_dim3A_146 = vector.broadcast %scan3A_144 : i32 to vector<16xi32>
              %gather3A_147 = tpu.vector_load_idx %arg7[%iota3A, %broadcast_in_dim3A_146] : memref<16x128xf32, #tpu.memory_space<vmem>>[vector<16xi32>, vector<16xi32>], vector<16xf32>,
              %add3A_148 = arith.constant 22 : i32
              %add3A_149 = vector.broadcast %add3A_148 : i32 to vector<16xi32>
              %add3A_150 = arith.addi %broadcast_in_dim3A_146, %add3A_149 : vector<16xi32>
              %gather3A_151 = tpu.vector_load_idx %arg7[%iota3A, %add3A_150] : memref<16x128xf32, #tpu.memory_space<vmem>>[vector<16xi32>, vector<16xi32>], vector<16xf32>,
              %add3A_152 = arith.constant 44 : i32
              %add3A_153 = vector.broadcast %add3A_152 : i32 to vector<16xi32>
              %add3A_154 = arith.addi %broadcast_in_dim3A_146, %add3A_153 : vector<16xi32>
              %gather3A_155 = tpu.vector_load_idx %arg7[%iota3A, %add3A_154] : memref<16x128xf32, #tpu.memory_space<vmem>>[vector<16xi32>, vector<16xi32>], vector<16xf32>,
              %gather3A_156 = tpu.vector_load_idx %arg6[%broadcast_in_dim3A_146] : memref<128xf32, #tpu.memory_space<vmem>>[vector<16xi32>], vector<16xf32>,
              %sub3A_157 = arith.subf %gather3A_147, %gather3A_156 : vector<16xf32>
              %add3A_158 = arith.constant 22 : i32
              %add3A_159 = vector.broadcast %add3A_158 : i32 to vector<16xi32>
              %add3A_160 = arith.addi %broadcast_in_dim3A_146, %add3A_159 : vector<16xi32>
              %gather3A_161 = tpu.vector_load_idx %arg6[%add3A_160] : memref<128xf32, #tpu.memory_space<vmem>>[vector<16xi32>], vector<16xf32>,
              %sub3A_162 = arith.subf %gather3A_151, %gather3A_161 : vector<16xf32>
              %add3A_163 = arith.constant 44 : i32
              %add3A_164 = vector.broadcast %add3A_163 : i32 to vector<16xi32>
              %add3A_165 = arith.addi %broadcast_in_dim3A_146, %add3A_164 : vector<16xi32>
              %gather3A_166 = tpu.vector_load_idx %arg6[%add3A_165] : memref<128xf32, #tpu.memory_space<vmem>>[vector<16xi32>], vector<16xf32>,
              %sub3A_167 = arith.subf %gather3A_155, %gather3A_166 : vector<16xf32>
              %mul3A_168 = arith.mulf %sub3A_157, %sub3A_157 : vector<16xf32>
              %mul3A_169 = arith.mulf %sub3A_162, %sub3A_162 : vector<16xf32>
              %add3A_170 = arith.addf %mul3A_168, %mul3A_169 : vector<16xf32>
              %mul3A_171 = arith.mulf %sub3A_167, %sub3A_167 : vector<16xf32>
              %add3A_172 = arith.addf %add3A_170, %mul3A_171 : vector<16xf32>
              %add3A_173 = arith.constant 9.99999993E-9 : f32
              %add3A_174 = vector.broadcast %add3A_173 : f32 to vector<16xf32>
              %add3A_175 = arith.addf %add3A_172, %add3A_174 : vector<16xf32>
              %bitcast3A = vector.bitcast %add3A_175 : vector<16xf32> to vector<16xi32>
              %shift_right_arithmetic3A = arith.constant 1 : i32
              %shift_right_arithmetic3A_176 = vector.broadcast %shift_right_arithmetic3A : i32 to vector<16xi32>
              %shift_right_arithmetic3A_177 = arith.shrsi %bitcast3A, %shift_right_arithmetic3A_176 : vector<16xi32>
              %sub3A_178 = arith.constant 1597463007 : i32
              %sub3A_179 = vector.broadcast %sub3A_178 : i32 to vector<16xi32>
              %sub3A_180 = arith.subi %sub3A_179, %shift_right_arithmetic3A_177 : vector<16xi32>
              %bitcast3A_181 = vector.bitcast %sub3A_180 : vector<16xi32> to vector<16xf32>
              %mul3A_182 = arith.constant 5.000000e-01 : f32
              %mul3A_183 = vector.broadcast %mul3A_182 : f32 to vector<16xf32>
              %mul3A_184 = arith.mulf %add3A_175, %mul3A_183 : vector<16xf32>
              %mul3A_185 = arith.mulf %mul3A_184, %bitcast3A_181 : vector<16xf32>
              %mul3A_186 = arith.mulf %mul3A_185, %bitcast3A_181 : vector<16xf32>
              %sub3A_187 = arith.constant 1.500000e+00 : f32
              %sub3A_188 = vector.broadcast %sub3A_187 : f32 to vector<16xf32>
              %sub3A_189 = arith.subf %sub3A_188, %mul3A_186 : vector<16xf32>
              %mul3A_190 = arith.mulf %bitcast3A_181, %sub3A_189 : vector<16xf32>
              %mul3A_191 = arith.mulf %mul3A_184, %mul3A_190 : vector<16xf32>
              %mul3A_192 = arith.mulf %mul3A_191, %mul3A_190 : vector<16xf32>
              %sub3A_193 = arith.constant 1.500000e+00 : f32
              %sub3A_194 = vector.broadcast %sub3A_193 : f32 to vector<16xf32>
              %sub3A_195 = arith.subf %sub3A_194, %mul3A_192 : vector<16xf32>
              %mul3A_196 = arith.mulf %mul3A_190, %sub3A_195 : vector<16xf32>
              %mul3A_197 = arith.mulf %mul3A_184, %mul3A_196 : vector<16xf32>
              %mul3A_198 = arith.mulf %mul3A_197, %mul3A_196 : vector<16xf32>
              %sub3A_199 = arith.constant 1.500000e+00 : f32
              %sub3A_200 = vector.broadcast %sub3A_199 : f32 to vector<16xf32>
              %sub3A_201 = arith.subf %sub3A_200, %mul3A_198 : vector<16xf32>
              %mul3A_202 = arith.mulf %mul3A_196, %sub3A_201 : vector<16xf32>
              %mul3A_203 = arith.mulf %add3A_175, %mul3A_202 : vector<16xf32>
              %add3A_204 = arith.addf %scan3A_145, %mul3A_203 : vector<16xf32>
              scf.yield %add3A_204 : vector<16xf32>
            }
            %scan3A_112 = arith.constant 22 : i32
            %mul3A_113 = arith.constant 0.0454545468 : f32
            %mul3A_114 = vector.broadcast %mul3A_113 : f32 to vector<16xf32>
            %mul3A_115 = arith.mulf %scan3A_111, %mul3A_114 : vector<16xf32>
            %lt3A = arith.constant 2.500000e+00 : f32
            %lt3A_116 = vector.broadcast %lt3A : f32 to vector<16xf32>
            %lt3A_117 = arith.cmpf olt, %mul3A_115, %lt3A_116 : vector<16xf32>
            %and3A_118 = arith.andi %and3A, %lt3A_117 : vector<16xi1>
            %add3A_119 = arith.constant 3072 : i32
            %add3A_120 = vector.broadcast %add3A_119 : i32 to vector<16xi32>
            %add3A_121 = arith.addi %add3A_70, %add3A_120 : vector<16xi32>
            %gather3A_122 = tpu.vector_load_idx %arg5[%add3A_121] : memref<5120xf32, #tpu.memory_space<vmem>>[vector<16xi32>], vector<16xf32>,
            %jit3A_123 = arith.constant 0.000000e+00 : f32
            %broadcast_in_dim3A_124 = vector.broadcast %jit3A_123 : f32 to vector<16xf32>
            %select_n3A_125 = arith.select %and3A_118, %gather3A_122, %broadcast_in_dim3A_124 : vector<16xi1>, vector<16xf32>
            %reduce_max3A = arith.constant true
            %reduce_max3A_126 = vector.broadcast %reduce_max3A : i1 to vector<16xi1>
            %reduce_max3A_127 = tpu.scan <max>, %select_n3A_125 masked %reduce_max3A_126 : vector<16xf32>, vector<16xi1> -> vector<16xf32>
            %reduce_max3A_128 = vector.extract %reduce_max3A_127[15] : f32 from vector<16xf32>
            %eq3A_129 = vector.broadcast %reduce_max3A_128 : f32 to vector<16xf32>
            %eq3A_130 = arith.cmpf oeq, %select_n3A_125, %eq3A_129 : vector<16xf32>
            %jit3A_131 = arith.constant 99999 : i32
            %broadcast_in_dim3A_132 = vector.broadcast %jit3A_131 : i32 to vector<16xi32>
            %select_n3A_133 = arith.select %eq3A_130, %add3A_70, %broadcast_in_dim3A_132 : vector<16xi1>, vector<16xi32>
            %reduce_min3A = arith.constant true
            %reduce_min3A_134 = vector.broadcast %reduce_min3A : i1 to vector<16xi1>
            %reduce_min3A_135 = arith.constant -2147483648 : i32
            %reduce_min3A_136 = vector.broadcast %reduce_min3A_135 : i32 to vector<16xi32>
            %reduce_min3A_137 = arith.xori %select_n3A_133, %reduce_min3A_136 : vector<16xi32>
            %reduce_min3A_138 = tpu.scan <min>, %reduce_min3A_137 masked %reduce_min3A_134 : vector<16xi32>, vector<16xi1> -> vector<16xi32>
            %reduce_min3A_139 = arith.xori %reduce_min3A_138, %reduce_min3A_136 : vector<16xi32>
            %reduce_min3A_140 = vector.extract %reduce_min3A_139[15] : i32 from vector<16xi32>
            %gt3A_141 = arith.cmpf ogt, %reduce_max3A_128, %scan3A_65 : f32
            %select_n3A_142 = arith.select %gt3A_141, %reduce_max3A_128, %scan3A_65 : f32
            %select_n3A_143 = arith.select %gt3A_141, %reduce_min3A_140, %scan3A_66 : i32
            scf.yield %select_n3A_142, %select_n3A_143 : f32, i32
          } else {
            scf.yield %scan3A_65, %scan3A_66 : f32, i32
          }
          scf.yield %cond3A_100#0, %cond3A_100#1 : f32, i32
        }
        %scan3A_52 = arith.constant 64 : i32
        %gt3A_53 = arith.constant 0.000000e+00 : f32
        %gt3A_54 = arith.cmpf ogt, %scan3A_51#0, %gt3A_53 : f32
        %eq3A_55 = arith.cmpi eq, %scan3A_51#1, %add3A_24 : i32
        %jit3A = arith.constant 1.000000e+00 : f32
        %jit3A_56 = arith.constant 0.000000e+00 : f32
        %select_n3A_57 = arith.select %eq3A_55, %jit3A, %jit3A_56 : f32
        %eq3A_58 = arith.constant 0 : i32
        %eq3A_59 = arith.cmpi eq, %add3A_24, %eq3A_58 : i32
        %jit3A_60 = arith.constant 1.000000e+00 : f32
        %jit3A_61 = arith.constant 0.000000e+00 : f32
        %select_n3A_62 = arith.select %eq3A_59, %jit3A_60, %jit3A_61 : f32
        %select_n3A_63 = arith.select %gt3A_54, %select_n3A_57, %select_n3A_62 : f32
        scf.yield %select_n3A_63 : f32
      } else {
        %cond3A_36 = arith.constant 0.000000e+00 : f32
        scf.yield %cond3A_36 : f32
      }
      %iota3A_33 = tpu.iota {dimensions = array<i32: 0>} : vector<16xi32>
      %eq3A = vector.broadcast %scan3A_20 : i32 to vector<16xi32>
      %eq3A_34 = arith.cmpi eq, %iota3A_33, %eq3A : vector<16xi32>
      %broadcast_in_dim3A_35 = vector.broadcast %cond3A_32 : f32 to vector<16xf32>
      %select_n3A = arith.select %eq3A_34, %broadcast_in_dim3A_35, %scan3A_21 : vector<16xi1>, vector<16xf32>
      scf.yield %select_n3A : vector<16xf32>
    }
    %scan3A_17 = arith.constant 16 : i32
    %swap3A_18 = arith.constant 16 : index
    %swap3A_19 = tpu.vector_load %arg8[%swap3A_18] {strides = array<i32>} : memref<32xf32, #tpu.memory_space<vmem>>, vector<16xf32>,
    tpu.vector_store %arg8[%swap3A_18], %scan3A_16 {strides = array<i32>} : memref<32xf32, #tpu.memory_space<vmem>>, vector<16xf32>,
    "tpu.region"() ({
      %run_scoped3A = tpu.sem_alloc : memref<!tpu.dma_semaphore, #tpu.memory_space<semaphore_mem>>
      %dma_start3A = tpu.memref_slice %arg4[%mul3A_2] : memref<1024xf32, #tpu.memory_space<hbm>> -> memref<32xf32, #tpu.memory_space<hbm>>
      %dma_start3A_20 = tpu.memref_slice %arg4[%mul3A_2] : memref<1024xf32, #tpu.memory_space<hbm>> -> memref<32xf32, #tpu.memory_space<hbm>>
      tpu.enqueue_dma source(%arg8 : memref<32xf32, #tpu.memory_space<vmem>>) target(%dma_start3A_20 : memref<32xf32, #tpu.memory_space<hbm>>) target_semaphore(%run_scoped3A : memref<!tpu.dma_semaphore, #tpu.memory_space<semaphore_mem>>)
      %dma_wait3A = tpu.memref_slice %arg4[%mul3A_2] : memref<1024xf32, #tpu.memory_space<hbm>> -> memref<32xf32, #tpu.memory_space<hbm>>
      %dma_wait3A_21 = tpu.memref_slice %arg4[%mul3A_2] : memref<1024xf32, #tpu.memory_space<hbm>> -> memref<32xf32, #tpu.memory_space<hbm>>
      tpu.wait_dma2 semaphore(%run_scoped3A : memref<!tpu.dma_semaphore, #tpu.memory_space<semaphore_mem>>) src(%arg8 : memref<32xf32, #tpu.memory_space<vmem>>) dst(%dma_wait3A_21 : memref<32xf32, #tpu.memory_space<hbm>>)
      tpu.yield
    }) : () -> ()
    return
  }
}

module attributes {stable_mosaic.version = 14 : i64} {
  func.func @_tc1_body(%arg0: memref<132x1000xf32, #tpu.memory_space<vmem>>, %arg1: memref<1000x3xf32, #tpu.memory_space<vmem>>, %arg2: memref<1000x1xf32, #tpu.memory_space<vmem>>, %arg3: memref<4x1000xf32, #tpu.memory_space<vmem>>, %arg4: memref<66x1000xf32, #tpu.memory_space<vmem>>, %arg5: memref<1000x1xf32, #tpu.memory_space<vmem>>) attributes {dimension_semantics = [], scalar_prefetch = 0 : i64, scratch_operands = 0 : i64, tpu.core_type = #tpu.core_type<tc>} {
    %get3A = arith.constant 0 : index
    %get3A_0 = arith.constant 0 : index
    %get3A_1 = vector.load %arg0[%get3A, %get3A_0] : memref<132x1000xf32, #tpu.memory_space<vmem>>, vector<22x1000xf32>
    %get3A_2 = arith.constant 22 : index
    %get3A_3 = arith.constant 0 : index
    %get3A_4 = vector.load %arg0[%get3A_2, %get3A_3] : memref<132x1000xf32, #tpu.memory_space<vmem>>, vector<22x1000xf32>
    %get3A_5 = arith.constant 44 : index
    %get3A_6 = arith.constant 0 : index
    %get3A_7 = vector.load %arg0[%get3A_5, %get3A_6] : memref<132x1000xf32, #tpu.memory_space<vmem>>, vector<22x1000xf32>
    %get3A_8 = arith.constant 66 : index
    %get3A_9 = arith.constant 0 : index
    %get3A_10 = vector.load %arg0[%get3A_8, %get3A_9] : memref<132x1000xf32, #tpu.memory_space<vmem>>, vector<22x1000xf32>
    %get3A_11 = arith.constant 88 : index
    %get3A_12 = arith.constant 0 : index
    %get3A_13 = vector.load %arg0[%get3A_11, %get3A_12] : memref<132x1000xf32, #tpu.memory_space<vmem>>, vector<22x1000xf32>
    %get3A_14 = arith.constant 110 : index
    %get3A_15 = arith.constant 0 : index
    %get3A_16 = vector.load %arg0[%get3A_14, %get3A_15] : memref<132x1000xf32, #tpu.memory_space<vmem>>, vector<22x1000xf32>
    %mul3A = arith.mulf %get3A_1, %get3A_1 : vector<22x1000xf32>
    %mul3A_17 = arith.mulf %get3A_4, %get3A_4 : vector<22x1000xf32>
    %add3A = arith.addf %mul3A, %mul3A_17 : vector<22x1000xf32>
    %mul3A_18 = arith.mulf %get3A_7, %get3A_7 : vector<22x1000xf32>
    %add3A_19 = arith.addf %add3A, %mul3A_18 : vector<22x1000xf32>
    %sqrt3A = math.sqrt %add3A_19 : vector<22x1000xf32>
    %add3A_20 = arith.constant 9.99999993E-9 : f32
    %add3A_21 = vector.broadcast %add3A_20 : f32 to vector<22x1000xf32>
    %add3A_22 = arith.addf %sqrt3A, %add3A_21 : vector<22x1000xf32>
    %div3A = arith.constant 1.000000e+00 : f32
    %div3A_23 = vector.broadcast %div3A : f32 to vector<22x1000xf32>
    %div3A_24 = arith.divf %div3A_23, %add3A_22 : vector<22x1000xf32>
    %mul3A_25 = arith.mulf %get3A_1, %div3A_24 : vector<22x1000xf32>
    %mul3A_26 = arith.mulf %get3A_4, %div3A_24 : vector<22x1000xf32>
    %mul3A_27 = arith.mulf %get3A_7, %div3A_24 : vector<22x1000xf32>
    %mul3A_28 = arith.mulf %mul3A_25, %get3A_10 : vector<22x1000xf32>
    %mul3A_29 = arith.mulf %mul3A_26, %get3A_13 : vector<22x1000xf32>
    %add3A_30 = arith.addf %mul3A_28, %mul3A_29 : vector<22x1000xf32>
    %mul3A_31 = arith.mulf %mul3A_27, %get3A_16 : vector<22x1000xf32>
    %add3A_32 = arith.addf %add3A_30, %mul3A_31 : vector<22x1000xf32>
    %mul3A_33 = arith.mulf %add3A_32, %mul3A_25 : vector<22x1000xf32>
    %sub3A = arith.subf %get3A_10, %mul3A_33 : vector<22x1000xf32>
    %mul3A_34 = arith.mulf %add3A_32, %mul3A_26 : vector<22x1000xf32>
    %sub3A_35 = arith.subf %get3A_13, %mul3A_34 : vector<22x1000xf32>
    %mul3A_36 = arith.mulf %add3A_32, %mul3A_27 : vector<22x1000xf32>
    %sub3A_37 = arith.subf %get3A_16, %mul3A_36 : vector<22x1000xf32>
    %mul3A_38 = arith.mulf %sub3A, %sub3A : vector<22x1000xf32>
    %mul3A_39 = arith.mulf %sub3A_35, %sub3A_35 : vector<22x1000xf32>
    %add3A_40 = arith.addf %mul3A_38, %mul3A_39 : vector<22x1000xf32>
    %mul3A_41 = arith.mulf %sub3A_37, %sub3A_37 : vector<22x1000xf32>
    %add3A_42 = arith.addf %add3A_40, %mul3A_41 : vector<22x1000xf32>
    %sqrt3A_43 = math.sqrt %add3A_42 : vector<22x1000xf32>
    %add3A_44 = arith.constant 9.99999993E-9 : f32
    %add3A_45 = vector.broadcast %add3A_44 : f32 to vector<22x1000xf32>
    %add3A_46 = arith.addf %sqrt3A_43, %add3A_45 : vector<22x1000xf32>
    %div3A_47 = arith.constant 1.000000e+00 : f32
    %div3A_48 = vector.broadcast %div3A_47 : f32 to vector<22x1000xf32>
    %div3A_49 = arith.divf %div3A_48, %add3A_46 : vector<22x1000xf32>
    %mul3A_50 = arith.mulf %sub3A, %div3A_49 : vector<22x1000xf32>
    %mul3A_51 = arith.mulf %sub3A_35, %div3A_49 : vector<22x1000xf32>
    %mul3A_52 = arith.mulf %sub3A_37, %div3A_49 : vector<22x1000xf32>
    %mul3A_53 = arith.mulf %mul3A_26, %mul3A_52 : vector<22x1000xf32>
    %mul3A_54 = arith.mulf %mul3A_27, %mul3A_51 : vector<22x1000xf32>
    %sub3A_55 = arith.subf %mul3A_53, %mul3A_54 : vector<22x1000xf32>
    %mul3A_56 = arith.mulf %mul3A_27, %mul3A_50 : vector<22x1000xf32>
    %mul3A_57 = arith.mulf %mul3A_25, %mul3A_52 : vector<22x1000xf32>
    %sub3A_58 = arith.subf %mul3A_56, %mul3A_57 : vector<22x1000xf32>
    %mul3A_59 = arith.mulf %mul3A_25, %mul3A_51 : vector<22x1000xf32>
    %mul3A_60 = arith.mulf %mul3A_26, %mul3A_50 : vector<22x1000xf32>
    %sub3A_61 = arith.subf %mul3A_59, %mul3A_60 : vector<22x1000xf32>
    %add3A_62 = arith.addf %mul3A_25, %mul3A_51 : vector<22x1000xf32>
    %add3A_63 = arith.addf %add3A_62, %sub3A_61 : vector<22x1000xf32>
    %sub3A_64 = arith.constant 1.000000e+00 : f32
    %sub3A_65 = vector.broadcast %sub3A_64 : f32 to vector<22x1000xf32>
    %sub3A_66 = arith.subf %add3A_63, %sub3A_65 : vector<22x1000xf32>
    %mul3A_67 = arith.constant 5.000000e-01 : f32
    %mul3A_68 = vector.broadcast %mul3A_67 : f32 to vector<22x1000xf32>
    %mul3A_69 = arith.mulf %sub3A_66, %mul3A_68 : vector<22x1000xf32>
    %jit3A = arith.constant -0.999998986 : f32
    %jit3A_70 = arith.constant 0.999998986 : f32
    %max3A = vector.broadcast %jit3A : f32 to vector<22x1000xf32>
    %max3A_71 = arith.maximumf %max3A, %mul3A_69 : vector<22x1000xf32>
    %min3A = vector.broadcast %jit3A_70 : f32 to vector<22x1000xf32>
    %min3A_72 = arith.minimumf %min3A, %max3A_71 : vector<22x1000xf32>
    %abs3A = math.absf %min3A_72 : vector<22x1000xf32>
    %mul3A_73 = arith.mulf %abs3A, %abs3A : vector<22x1000xf32>
    %mul3A_74 = arith.constant 4.216320e-02 : f32
    %mul3A_75 = vector.broadcast %mul3A_74 : f32 to vector<22x1000xf32>
    %mul3A_76 = arith.mulf %mul3A_75, %mul3A_73 : vector<22x1000xf32>
    %add3A_77 = arith.constant 0.024181312 : f32
    %add3A_78 = vector.broadcast %add3A_77 : f32 to vector<22x1000xf32>
    %add3A_79 = arith.addf %mul3A_76, %add3A_78 : vector<22x1000xf32>
    %mul3A_80 = arith.mulf %add3A_79, %mul3A_73 : vector<22x1000xf32>
    %add3A_81 = arith.constant 0.0454700254 : f32
    %add3A_82 = vector.broadcast %add3A_81 : f32 to vector<22x1000xf32>
    %add3A_83 = arith.addf %mul3A_80, %add3A_82 : vector<22x1000xf32>
    %mul3A_84 = arith.mulf %add3A_83, %mul3A_73 : vector<22x1000xf32>
    %add3A_85 = arith.constant 0.0749530047 : f32
    %add3A_86 = vector.broadcast %add3A_85 : f32 to vector<22x1000xf32>
    %add3A_87 = arith.addf %mul3A_84, %add3A_86 : vector<22x1000xf32>
    %mul3A_88 = arith.mulf %add3A_87, %mul3A_73 : vector<22x1000xf32>
    %add3A_89 = arith.constant 0.166667521 : f32
    %add3A_90 = vector.broadcast %add3A_89 : f32 to vector<22x1000xf32>
    %add3A_91 = arith.addf %mul3A_88, %add3A_90 : vector<22x1000xf32>
    %mul3A_92 = arith.mulf %abs3A, %abs3A : vector<22x1000xf32>
    %mul3A_93 = arith.mulf %add3A_91, %mul3A_92 : vector<22x1000xf32>
    %mul3A_94 = arith.mulf %mul3A_93, %abs3A : vector<22x1000xf32>
    %add3A_95 = arith.addf %mul3A_94, %abs3A : vector<22x1000xf32>
    %ge3A = arith.constant 0.000000e+00 : f32
    %ge3A_96 = vector.broadcast %ge3A : f32 to vector<22x1000xf32>
    %ge3A_97 = arith.cmpf oge, %min3A_72, %ge3A_96 : vector<22x1000xf32>
    %sub3A_98 = arith.constant 1.57079637 : f32
    %sub3A_99 = vector.broadcast %sub3A_98 : f32 to vector<22x1000xf32>
    %sub3A_100 = arith.subf %sub3A_99, %add3A_95 : vector<22x1000xf32>
    %add3A_101 = arith.constant 1.57079637 : f32
    %add3A_102 = vector.broadcast %add3A_101 : f32 to vector<22x1000xf32>
    %add3A_103 = arith.addf %add3A_102, %add3A_95 : vector<22x1000xf32>
    %select_n3A = arith.select %ge3A_97, %sub3A_100, %add3A_103 : vector<22x1000xi1>, vector<22x1000xf32>
    %sub3A_104 = arith.constant 1.000000e+00 : f32
    %sub3A_105 = vector.broadcast %sub3A_104 : f32 to vector<22x1000xf32>
    %sub3A_106 = arith.subf %sub3A_105, %abs3A : vector<22x1000xf32>
    %mul3A_107 = arith.constant 5.000000e-01 : f32
    %mul3A_108 = vector.broadcast %mul3A_107 : f32 to vector<22x1000xf32>
    %mul3A_109 = arith.mulf %mul3A_108, %sub3A_106 : vector<22x1000xf32>
    %sqrt3A_110 = math.sqrt %mul3A_109 : vector<22x1000xf32>
    %mul3A_111 = arith.constant 4.216320e-02 : f32
    %mul3A_112 = vector.broadcast %mul3A_111 : f32 to vector<22x1000xf32>
    %mul3A_113 = arith.mulf %mul3A_112, %mul3A_109 : vector<22x1000xf32>
    %add3A_114 = arith.constant 0.024181312 : f32
    %add3A_115 = vector.broadcast %add3A_114 : f32 to vector<22x1000xf32>
    %add3A_116 = arith.addf %mul3A_113, %add3A_115 : vector<22x1000xf32>
    %mul3A_117 = arith.mulf %add3A_116, %mul3A_109 : vector<22x1000xf32>
    %add3A_118 = arith.constant 0.0454700254 : f32
    %add3A_119 = vector.broadcast %add3A_118 : f32 to vector<22x1000xf32>
    %add3A_120 = arith.addf %mul3A_117, %add3A_119 : vector<22x1000xf32>
    %mul3A_121 = arith.mulf %add3A_120, %mul3A_109 : vector<22x1000xf32>
    %add3A_122 = arith.constant 0.0749530047 : f32
    %add3A_123 = vector.broadcast %add3A_122 : f32 to vector<22x1000xf32>
    %add3A_124 = arith.addf %mul3A_121, %add3A_123 : vector<22x1000xf32>
    %mul3A_125 = arith.mulf %add3A_124, %mul3A_109 : vector<22x1000xf32>
    %add3A_126 = arith.constant 0.166667521 : f32
    %add3A_127 = vector.broadcast %add3A_126 : f32 to vector<22x1000xf32>
    %add3A_128 = arith.addf %mul3A_125, %add3A_127 : vector<22x1000xf32>
    %mul3A_129 = arith.mulf %add3A_128, %mul3A_109 : vector<22x1000xf32>
    %mul3A_130 = arith.mulf %mul3A_129, %sqrt3A_110 : vector<22x1000xf32>
    %add3A_131 = arith.addf %mul3A_130, %sqrt3A_110 : vector<22x1000xf32>
    %ge3A_132 = arith.constant 0.000000e+00 : f32
    %ge3A_133 = vector.broadcast %ge3A_132 : f32 to vector<22x1000xf32>
    %ge3A_134 = arith.cmpf oge, %min3A_72, %ge3A_133 : vector<22x1000xf32>
    %mul3A_135 = arith.constant 2.000000e+00 : f32
    %mul3A_136 = vector.broadcast %mul3A_135 : f32 to vector<22x1000xf32>
    %mul3A_137 = arith.mulf %mul3A_136, %add3A_131 : vector<22x1000xf32>
    %mul3A_138 = arith.constant 2.000000e+00 : f32
    %mul3A_139 = vector.broadcast %mul3A_138 : f32 to vector<22x1000xf32>
    %mul3A_140 = arith.mulf %mul3A_139, %add3A_131 : vector<22x1000xf32>
    %sub3A_141 = arith.constant 3.14159274 : f32
    %sub3A_142 = vector.broadcast %sub3A_141 : f32 to vector<22x1000xf32>
    %sub3A_143 = arith.subf %sub3A_142, %mul3A_140 : vector<22x1000xf32>
    %select_n3A_144 = arith.select %ge3A_134, %mul3A_137, %sub3A_143 : vector<22x1000xi1>, vector<22x1000xf32>
    %le3A = arith.constant 5.000000e-01 : f32
    %le3A_145 = vector.broadcast %le3A : f32 to vector<22x1000xf32>
    %le3A_146 = arith.cmpf ole, %abs3A, %le3A_145 : vector<22x1000xf32>
    %select_n3A_147 = arith.select %le3A_146, %select_n3A, %select_n3A_144 : vector<22x1000xi1>, vector<22x1000xf32>
    %sub3A_148 = arith.constant 1.000000e+00 : f32
    %sub3A_149 = vector.broadcast %sub3A_148 : f32 to vector<22x1000xf32>
    %sub3A_150 = arith.subf %sub3A_149, %min3A_72 : vector<22x1000xf32>
    %add3A_151 = arith.constant 1.000000e+00 : f32
    %add3A_152 = vector.broadcast %add3A_151 : f32 to vector<22x1000xf32>
    %add3A_153 = arith.addf %add3A_152, %min3A_72 : vector<22x1000xf32>
    %mul3A_154 = arith.mulf %sub3A_150, %add3A_153 : vector<22x1000xf32>
    %sqrt3A_155 = math.sqrt %mul3A_154 : vector<22x1000xf32>
    %mul3A_156 = arith.constant 2.000000e+00 : f32
    %mul3A_157 = vector.broadcast %mul3A_156 : f32 to vector<22x1000xf32>
    %mul3A_158 = arith.mulf %mul3A_157, %sqrt3A_155 : vector<22x1000xf32>
    %add3A_159 = arith.constant 9.99999993E-9 : f32
    %add3A_160 = vector.broadcast %add3A_159 : f32 to vector<22x1000xf32>
    %add3A_161 = arith.addf %mul3A_158, %add3A_160 : vector<22x1000xf32>
    %div3A_162 = arith.divf %select_n3A_147, %add3A_161 : vector<22x1000xf32>
    %sub3A_163 = arith.subf %mul3A_52, %sub3A_58 : vector<22x1000xf32>
    %mul3A_164 = arith.mulf %sub3A_163, %div3A_162 : vector<22x1000xf32>
    %swap3A = arith.constant 0 : index
    %swap3A_165 = arith.constant 0 : index
    %swap3A_166 = vector.load %arg4[%swap3A, %swap3A_165] : memref<66x1000xf32, #tpu.memory_space<vmem>>, vector<22x1000xf32>
    tpu.vector_store %arg4[%swap3A, %swap3A_165], %mul3A_164 {strides = array<i32>} : memref<66x1000xf32, #tpu.memory_space<vmem>>, vector<22x1000xf32>,
    %sub3A_167 = arith.subf %sub3A_55, %mul3A_27 : vector<22x1000xf32>
    %mul3A_168 = arith.mulf %sub3A_167, %div3A_162 : vector<22x1000xf32>
    %swap3A_169 = arith.constant 22 : index
    %swap3A_170 = arith.constant 0 : index
    %swap3A_171 = vector.load %arg4[%swap3A_169, %swap3A_170] : memref<66x1000xf32, #tpu.memory_space<vmem>>, vector<22x1000xf32>
    tpu.vector_store %arg4[%swap3A_169, %swap3A_170], %mul3A_168 {strides = array<i32>} : memref<66x1000xf32, #tpu.memory_space<vmem>>, vector<22x1000xf32>,
    %sub3A_172 = arith.subf %mul3A_26, %mul3A_50 : vector<22x1000xf32>
    %mul3A_173 = arith.mulf %sub3A_172, %div3A_162 : vector<22x1000xf32>
    %swap3A_174 = arith.constant 44 : index
    %swap3A_175 = arith.constant 0 : index
    %swap3A_176 = vector.load %arg4[%swap3A_174, %swap3A_175] : memref<66x1000xf32, #tpu.memory_space<vmem>>, vector<22x1000xf32>
    tpu.vector_store %arg4[%swap3A_174, %swap3A_175], %mul3A_173 {strides = array<i32>} : memref<66x1000xf32, #tpu.memory_space<vmem>>, vector<22x1000xf32>,
    %get3A_177 = arith.constant 0 : index
    %get3A_178 = arith.constant 1 : index
    %get3A_179 = vector.load %arg1[%get3A_177, %get3A_178] : memref<1000x3xf32, #tpu.memory_space<vmem>>, vector<1000x1xf32>
    %get3A_180 = arith.constant 0 : index
    %get3A_181 = arith.constant 2 : index
    %get3A_182 = vector.load %arg1[%get3A_180, %get3A_181] : memref<1000x3xf32, #tpu.memory_space<vmem>>, vector<1000x1xf32>
    %get3A_183 = arith.constant 0 : index
    %get3A_184 = arith.constant 0 : index
    %get3A_185 = vector.load %arg3[%get3A_183, %get3A_184] : memref<4x1000xf32, #tpu.memory_space<vmem>>, vector<1x1000xf32>
    %sub3A_186 = vector.broadcast %get3A_185 : vector<1x1000xf32> to vector<1000x1000xf32>
    %sub3A_187 = vector.broadcast %get3A_179 : vector<1000x1xf32> to vector<1000x1000xf32>
    %sub3A_188 = arith.subf %sub3A_186, %sub3A_187 : vector<1000x1000xf32>
    %get3A_189 = arith.constant 1 : index
    %get3A_190 = arith.constant 0 : index
    %get3A_191 = vector.load %arg3[%get3A_189, %get3A_190] : memref<4x1000xf32, #tpu.memory_space<vmem>>, vector<1x1000xf32>
    %sub3A_192 = vector.broadcast %get3A_191 : vector<1x1000xf32> to vector<1000x1000xf32>
    %sub3A_193 = vector.broadcast %get3A_182 : vector<1000x1xf32> to vector<1000x1000xf32>
    %sub3A_194 = arith.subf %sub3A_192, %sub3A_193 : vector<1000x1000xf32>
    %mul3A_195 = arith.mulf %sub3A_188, %sub3A_188 : vector<1000x1000xf32>
    %mul3A_196 = arith.mulf %sub3A_194, %sub3A_194 : vector<1000x1000xf32>
    %add3A_197 = arith.addf %mul3A_195, %mul3A_196 : vector<1000x1000xf32>
    %le3A_198 = arith.constant 2.500000e+01 : f32
    %le3A_199 = vector.broadcast %le3A_198 : f32 to vector<1000x1000xf32>
    %le3A_200 = arith.cmpf ole, %add3A_197, %le3A_199 : vector<1000x1000xf32>
    %get3A_201 = arith.constant 2 : index
    %get3A_202 = arith.constant 0 : index
    %get3A_203 = vector.load %arg3[%get3A_201, %get3A_202] : memref<4x1000xf32, #tpu.memory_space<vmem>>, vector<1x1000xf32>
    %get3A_204 = arith.constant 0 : index
    %get3A_205 = arith.constant 0 : index
    %get3A_206 = vector.load %arg2[%get3A_204, %get3A_205] : memref<1000x1xf32, #tpu.memory_space<vmem>>, vector<1000x1xf32>
    %eq3A = vector.broadcast %get3A_203 : vector<1x1000xf32> to vector<1000x1000xf32>
    %eq3A_207 = vector.broadcast %get3A_206 : vector<1000x1xf32> to vector<1000x1000xf32>
    %eq3A_208 = arith.cmpf oeq, %eq3A, %eq3A_207 : vector<1000x1000xf32>
    %and3A = arith.andi %le3A_200, %eq3A_208 : vector<1000x1000xi1>
    %jit3A_209 = arith.constant 1.000000e+00 : f32
    %jit3A_210 = arith.constant 0.000000e+00 : f32
    %broadcast_in_dim3A = vector.broadcast %jit3A_209 : f32 to vector<1000x1000xf32>
    %broadcast_in_dim3A_211 = vector.broadcast %jit3A_210 : f32 to vector<1000x1000xf32>
    %select_n3A_212 = arith.select %and3A, %broadcast_in_dim3A, %broadcast_in_dim3A_211 : vector<1000x1000xi1>, vector<1000x1000xf32>
    %reduce_sum3A = arith.constant dense<0.000000e+00> : vector<1000xf32>
    %reduce_sum3A_213 = vector.multi_reduction <add>, %select_n3A_212, %reduce_sum3A [1] : vector<1000x1000xf32> to vector<1000xf32>
    %broadcast_in_dim3A_214 = vector.shape_cast %reduce_sum3A_213 : vector<1000xf32> to vector<1000x1xf32>
    %swap3A_215 = arith.constant 0 : index
    %swap3A_216 = arith.constant 0 : index
    %swap3A_217 = vector.load %arg5[%swap3A_215, %swap3A_216] : memref<1000x1xf32, #tpu.memory_space<vmem>>, vector<1000x1xf32>
    tpu.vector_store %arg5[%swap3A_215, %swap3A_216], %broadcast_in_dim3A_214 {strides = array<i32>} : memref<1000x1xf32, #tpu.memory_space<vmem>>, vector<1000x1xf32>,
    return
  }
}

module attributes {stable_mosaic.version = 14 : i64} {
  func.func @_tcdense_body(%arg0: memref<1000x3xf32, #tpu.memory_space<vmem>>, %arg1: memref<1000x1xf32, #tpu.memory_space<vmem>>, %arg2: memref<4x1000xf32, #tpu.memory_space<vmem>>, %arg3: memref<1000x1xf32, #tpu.memory_space<vmem>>) attributes {dimension_semantics = [], scalar_prefetch = 0 : i64, scratch_operands = 0 : i64, tpu.core_type = #tpu.core_type<tc>} {
    %get3A = arith.constant 0 : index
    %get3A_0 = arith.constant 1 : index
    %get3A_1 = vector.load %arg0[%get3A, %get3A_0] : memref<1000x3xf32, #tpu.memory_space<vmem>>, vector<1000x1xf32>
    %get3A_2 = arith.constant 0 : index
    %get3A_3 = arith.constant 2 : index
    %get3A_4 = vector.load %arg0[%get3A_2, %get3A_3] : memref<1000x3xf32, #tpu.memory_space<vmem>>, vector<1000x1xf32>
    %get3A_5 = arith.constant 0 : index
    %get3A_6 = arith.constant 0 : index
    %get3A_7 = vector.load %arg2[%get3A_5, %get3A_6] : memref<4x1000xf32, #tpu.memory_space<vmem>>, vector<1x1000xf32>
    %sub3A = vector.broadcast %get3A_7 : vector<1x1000xf32> to vector<1000x1000xf32>
    %sub3A_8 = vector.broadcast %get3A_1 : vector<1000x1xf32> to vector<1000x1000xf32>
    %sub3A_9 = arith.subf %sub3A, %sub3A_8 : vector<1000x1000xf32>
    %get3A_10 = arith.constant 1 : index
    %get3A_11 = arith.constant 0 : index
    %get3A_12 = vector.load %arg2[%get3A_10, %get3A_11] : memref<4x1000xf32, #tpu.memory_space<vmem>>, vector<1x1000xf32>
    %sub3A_13 = vector.broadcast %get3A_12 : vector<1x1000xf32> to vector<1000x1000xf32>
    %sub3A_14 = vector.broadcast %get3A_4 : vector<1000x1xf32> to vector<1000x1000xf32>
    %sub3A_15 = arith.subf %sub3A_13, %sub3A_14 : vector<1000x1000xf32>
    %mul3A = arith.mulf %sub3A_9, %sub3A_9 : vector<1000x1000xf32>
    %mul3A_16 = arith.mulf %sub3A_15, %sub3A_15 : vector<1000x1000xf32>
    %add3A = arith.addf %mul3A, %mul3A_16 : vector<1000x1000xf32>
    %le3A = arith.constant 2.500000e+01 : f32
    %le3A_17 = vector.broadcast %le3A : f32 to vector<1000x1000xf32>
    %le3A_18 = arith.cmpf ole, %add3A, %le3A_17 : vector<1000x1000xf32>
    %get3A_19 = arith.constant 2 : index
    %get3A_20 = arith.constant 0 : index
    %get3A_21 = vector.load %arg2[%get3A_19, %get3A_20] : memref<4x1000xf32, #tpu.memory_space<vmem>>, vector<1x1000xf32>
    %get3A_22 = arith.constant 0 : index
    %get3A_23 = arith.constant 0 : index
    %get3A_24 = vector.load %arg1[%get3A_22, %get3A_23] : memref<1000x1xf32, #tpu.memory_space<vmem>>, vector<1000x1xf32>
    %eq3A = vector.broadcast %get3A_21 : vector<1x1000xf32> to vector<1000x1000xf32>
    %eq3A_25 = vector.broadcast %get3A_24 : vector<1000x1xf32> to vector<1000x1000xf32>
    %eq3A_26 = arith.cmpf oeq, %eq3A, %eq3A_25 : vector<1000x1000xf32>
    %and3A = arith.andi %le3A_18, %eq3A_26 : vector<1000x1000xi1>
    %jit3A = arith.constant 1.000000e+00 : f32
    %jit3A_27 = arith.constant 0.000000e+00 : f32
    %broadcast_in_dim3A = vector.broadcast %jit3A : f32 to vector<1000x1000xf32>
    %broadcast_in_dim3A_28 = vector.broadcast %jit3A_27 : f32 to vector<1000x1000xf32>
    %select_n3A = arith.select %and3A, %broadcast_in_dim3A, %broadcast_in_dim3A_28 : vector<1000x1000xi1>, vector<1000x1000xf32>
    %get3A_29 = arith.constant 3 : index
    %get3A_30 = arith.constant 0 : index
    %get3A_31 = vector.load %arg2[%get3A_29, %get3A_30] : memref<4x1000xf32, #tpu.memory_space<vmem>>, vector<1x1000xf32>
    %mul3A_32 = vector.broadcast %get3A_31 : vector<1x1000xf32> to vector<1000x1000xf32>
    %mul3A_33 = arith.mulf %select_n3A, %mul3A_32 : vector<1000x1000xf32>
    %reduce_max3A = arith.constant dense<0xFF800000> : vector<1000xf32>
    %reduce_max3A_34 = vector.multi_reduction <maximumf>, %mul3A_33, %reduce_max3A [1] : vector<1000x1000xf32> to vector<1000xf32>
    %broadcast_in_dim3A_35 = vector.shape_cast %reduce_max3A_34 : vector<1000xf32> to vector<1000x1xf32>
    %iota3A = tpu.iota {dimensions = array<i32: 1>} : vector<1000x1000xi32>
    %eq3A_36 = vector.broadcast %broadcast_in_dim3A_35 : vector<1000x1xf32> to vector<1000x1000xf32>
    %eq3A_37 = arith.cmpf oeq, %mul3A_33, %eq3A_36 : vector<1000x1000xf32>
    %jit3A_38 = arith.constant 1000 : i32
    %broadcast_in_dim3A_39 = vector.broadcast %jit3A_38 : i32 to vector<1000x1000xi32>
    %select_n3A_40 = arith.select %eq3A_37, %iota3A, %broadcast_in_dim3A_39 : vector<1000x1000xi1>, vector<1000x1000xi32>
    %reduce_min3A = arith.constant dense<2147483647> : vector<1000xi32>
    %reduce_min3A_41 = vector.multi_reduction <minsi>, %select_n3A_40, %reduce_min3A [1] : vector<1000x1000xi32> to vector<1000xi32>
    %broadcast_in_dim3A_42 = vector.shape_cast %reduce_min3A_41 : vector<1000xi32> to vector<1000x1xi32>
    %iota3A_43 = tpu.iota {dimensions = array<i32: 0>} : vector<1000x1xi32>
    %eq3A_44 = arith.cmpi eq, %broadcast_in_dim3A_42, %iota3A_43 : vector<1000x1xi32>
    %jit3A_45 = arith.constant 1.000000e+00 : f32
    %jit3A_46 = arith.constant 0.000000e+00 : f32
    %broadcast_in_dim3A_47 = vector.broadcast %jit3A_45 : f32 to vector<1000x1xf32>
    %broadcast_in_dim3A_48 = vector.broadcast %jit3A_46 : f32 to vector<1000x1xf32>
    %select_n3A_49 = arith.select %eq3A_44, %broadcast_in_dim3A_47, %broadcast_in_dim3A_48 : vector<1000x1xi1>, vector<1000x1xf32>
    %swap3A = arith.constant 0 : index
    %swap3A_50 = arith.constant 0 : index
    %swap3A_51 = vector.load %arg3[%swap3A, %swap3A_50] : memref<1000x1xf32, #tpu.memory_space<vmem>>, vector<1000x1xf32>
    tpu.vector_store %arg3[%swap3A, %swap3A_50], %select_n3A_49 {strides = array<i32>} : memref<1000x1xf32, #tpu.memory_space<vmem>>, vector<1000x1xf32>,
    return
  }
}

module attributes {stable_mosaic.version = 14 : i64} {
  func.func @_tc2_body(%arg0: memref<1000x145xf32, #tpu.memory_space<vmem>>, %arg1: memref<1000x1xf32, #tpu.memory_space<vmem>>, %arg2: memref<1000x1xf32, #tpu.memory_space<vmem>>, %arg3: memref<1000x1xf32, #tpu.memory_space<vmem>>, %arg4: memref<1000x1xf32, #tpu.memory_space<vmem>>, %arg5: memref<1000x145xf32, #tpu.memory_space<vmem>>, %arg6: memref<1000x1xf32, #tpu.memory_space<vmem>>, %arg7: memref<1000x1xi32, #tpu.memory_space<vmem>>) attributes {dimension_semantics = [], scalar_prefetch = 0 : i64, scratch_operands = 0 : i64, tpu.core_type = #tpu.core_type<tc>} {
    %get3A = arith.constant 0 : index
    %get3A_0 = arith.constant 0 : index
    %get3A_1 = vector.load %arg2[%get3A, %get3A_0] : memref<1000x1xf32, #tpu.memory_space<vmem>>, vector<1000x1xf32>
    %gt3A = arith.constant 1.000000e+00 : f32
    %gt3A_2 = vector.broadcast %gt3A : f32 to vector<1000x1xf32>
    %gt3A_3 = arith.cmpf ogt, %get3A_1, %gt3A_2 : vector<1000x1xf32>
    %get3A_4 = arith.constant 0 : index
    %get3A_5 = arith.constant 0 : index
    %get3A_6 = vector.load %arg4[%get3A_4, %get3A_5] : memref<1000x1xf32, #tpu.memory_space<vmem>>, vector<1000x1xf32>
    %get3A_7 = arith.constant 0 : index
    %get3A_8 = arith.constant 0 : index
    %get3A_9 = vector.load %arg3[%get3A_7, %get3A_8] : memref<1000x1xf32, #tpu.memory_space<vmem>>, vector<1000x1xf32>
    %select_n3A = arith.select %gt3A_3, %get3A_6, %get3A_9 : vector<1000x1xi1>, vector<1000x1xf32>
    %get3A_10 = arith.constant 0 : index
    %get3A_11 = arith.constant 0 : index
    %get3A_12 = vector.load %arg0[%get3A_10, %get3A_11] : memref<1000x145xf32, #tpu.memory_space<vmem>>, vector<1000x145xf32>
    %mul3A = vector.broadcast %select_n3A : vector<1000x1xf32> to vector<1000x145xf32>
    %mul3A_13 = arith.mulf %get3A_12, %mul3A : vector<1000x145xf32>
    %swap3A = arith.constant 0 : index
    %swap3A_14 = arith.constant 0 : index
    %swap3A_15 = vector.load %arg5[%swap3A, %swap3A_14] : memref<1000x145xf32, #tpu.memory_space<vmem>>, vector<1000x145xf32>
    tpu.vector_store %arg5[%swap3A, %swap3A_14], %mul3A_13 {strides = array<i32>} : memref<1000x145xf32, #tpu.memory_space<vmem>>, vector<1000x145xf32>,
    %get3A_16 = arith.constant 0 : index
    %get3A_17 = arith.constant 0 : index
    %get3A_18 = vector.load %arg1[%get3A_16, %get3A_17] : memref<1000x1xf32, #tpu.memory_space<vmem>>, vector<1000x1xf32>
    %mul3A_19 = arith.mulf %get3A_18, %select_n3A : vector<1000x1xf32>
    %swap3A_20 = arith.constant 0 : index
    %swap3A_21 = arith.constant 0 : index
    %swap3A_22 = vector.load %arg6[%swap3A_20, %swap3A_21] : memref<1000x1xf32, #tpu.memory_space<vmem>>, vector<1000x1xf32>
    tpu.vector_store %arg6[%swap3A_20, %swap3A_21], %mul3A_19 {strides = array<i32>} : memref<1000x1xf32, #tpu.memory_space<vmem>>, vector<1000x1xf32>,
    %gt3A_23 = arith.constant 0.000000e+00 : f32
    %gt3A_24 = vector.broadcast %gt3A_23 : f32 to vector<1000x1xf32>
    %gt3A_25 = arith.cmpf ogt, %select_n3A, %gt3A_24 : vector<1000x1xf32>
    %jit3A = arith.constant 1 : i32
    %jit3A_26 = arith.constant 0 : i32
    %broadcast_in_dim3A = vector.broadcast %jit3A : i32 to vector<1000x1xi32>
    %broadcast_in_dim3A_27 = vector.broadcast %jit3A_26 : i32 to vector<1000x1xi32>
    %select_n3A_28 = arith.select %gt3A_25, %broadcast_in_dim3A, %broadcast_in_dim3A_27 : vector<1000x1xi1>, vector<1000x1xi32>
    %swap3A_29 = arith.constant 0 : index
    %swap3A_30 = arith.constant 0 : index
    %swap3A_31 = vector.load %arg7[%swap3A_29, %swap3A_30] : memref<1000x1xi32, #tpu.memory_space<vmem>>, vector<1000x1xi32>
    tpu.vector_store %arg7[%swap3A_29, %swap3A_30], %select_n3A_28 {strides = array<i32>} : memref<1000x1xi32, #tpu.memory_space<vmem>>, vector<1000x1xi32>,
    return
  }
}

</mosaic_0001>

<sc_bundles>
// kernel: kernel.6.cloned.1.call-start
scs
__scs_entry_jumppad:
0x0: {  	(pc) =	sbr.rel $0x88, $3  }
0x1: {  	(tag) =	ssettag $0x0;
	lr =	simm.s32 $0x1  }
0x2: {  	[smem:$0x3F9D] =	sst lr;
	_ =	strace $0xD0000000  }
0x3: {  	_ = 	snop  }
0x4: {  	_ = 	snop  }
0x5: {  	_ = 	snop  }
0x6: {  	_ = 	snop  }
0x7: {  	_ = 	snop  }
__scs_overlays_trampoline_lowered:
0x8: {  	[smem:$0x3FAC] =	sst s0  }
0x9: {  	[smem:$0x3FAD] =	sst s1  }
0xa: {  	[smem:$0x3FAE] =	sst s2  }
0xb: {  	[smem:$0x3FAF] =	sst s3  }
0xc: {  	[smem:$0x3FB0] =	sst s4  }
0xd: {  	[smem:$0x3FB1] =	sst s5  }
0xe: {  	[smem:$0x3FB2] =	sst s6  }
0xf: {  	[smem:$0x3FB3] =	sst s7  }
0x10: {  	[smem:$0x3FB4] =	sst s8  }
0x11: {  	[smem:$0x3FB5] =	sst s9;
	s0 =	simm.s32 @!p0 $0x0  }
0x12: {  	s1 =	sld [smem:$0x3F9B];
	s0 =	simm.s32 @p0 $0x1  }
0x13: {  	[smem:$0x3FB6] =	sst s0;
	s0 =	simm.s32 @!p1 $0x0  }
0x14: {  	s2 =	sld [smem:$0x3F9A];
	s0 =	simm.s32 @p1 $0x1  }
0x15: {  	[smem:$0x3FB7] =	sst s0;
	s0 =	simm.s32 @!p2 $0x0  }
0x16: {  	s3 =	sld [smem:$0x3FDB];
	s0 =	simm.s32 @p2 $0x1  }
0x17: {  	s4 =	simm.s32 $0x1BF5;
	[smem:$0x3FB9] =	sst s0  }
0x18: {  	s0 =	sld [smem:$0x3F9C];
	_ =	swait.ge [sflag:s4], $0x0  }
0x19: {  	s7 =	sld [smem:$0x3F9D]  }
0x1a: {  	s8 =	sadd.s32 $0xFFFFE003, lr  }
0x1b: {  	s9 =	sadd.s32 $0xFFFFFEF7, lr;
	s5 =	simm.s32 $0xFFFFFFFF;
	p2 =	slt.u32 s8, $0xFFFFF086  }
0x1c: {  	p1 =	slt.u32 s9, $0xF7A;
	s5 =	simm.s32 @!p2 $0x0  }
0x1d: {  	s5 =	simm.s32 @p1 $0x1;
	p0 =	seq.s32 s7, s2  }
0x1e: {  	s7 =	smul.u32 @!p0 $0xF7A, s2;
	p2 =	seq.s32 @!p0 s5, $0x0  }
0x1f: {  	s9 =	smul.u32 $0xF7A, s1;
	s8 =	simm.s32 @!p0 $0x1BF5;
	p2 =	por !p2, p0  }
0x20: {  	[sflag:s8] =	ssyncset.s32 @!p0 $0xFFFFF086;
	s6 =	sadd.s32 @!p0 s3, s7;
	s7 =	simm.s32 @!p0 $0x108  }
0x21: {  	s3 =	sadd.s32 s3, s9;
	s6 =	sadd.s32 @!p0 $0x88, s6;
	s7 =	simm.s32 @p2 $0x1082  }
0x22: {  	[simem:s7], [sflag:s8] =	dma.local @!p0 [hbm:s6], $0xF7A  }
0x23: {  	s9 =	sor.u32 $0xD0000000, s2;
	s6 =	simm.s32 $0x108;
	_ =	swait.ge @!p0 [sflag:s8], $0x0  }
0x24: {  	s3 =	sadd.s32 $0x88, s3;
	s6 =	simm.s32 @!p1 $0x1082;
	[sflag:s4] =	ssyncset.s32 $0xFFFFF086  }
0x25: {  	[simem:s6], [sflag:s4] =	dma.local [hbm:s3], $0xF7A  }
0x26: {  	[smem:$0x3F9D] =	sst s1;
	(tag) =	ssettag s2;
	_ =	strace s9  }
0x27: {  	s1 =	sld [smem:$0x3FAD]  }
0x28: {  	s2 =	sld [smem:$0x3FAE]  }
0x29: {  	s4 =	sld [smem:$0x3FB0]  }
0x2a: {  	p0 =	seq.s32 s5, $0x0;
	s5 =	sld [smem:$0x3FB1]  }
0x2b: {  	s6 =	sld [smem:$0x3FB2]  }
0x2c: {  	s7 =	sld [smem:$0x3FB3]  }
0x2d: {  	s3 =	simm.s32 $0x108;
	s8 =	sld [smem:$0x3FB4]  }
0x2e: {  	s3 =	simm.s32 @!p0 $0x1082;
	s9 =	sld [smem:$0x3FB5]  }
0x2f: {  	lr =	sadd.s32 s0, s3;
	s0 =	sld [smem:$0x3FAC]  }
0x30: {  	s3 =	sld [smem:$0x3FAF]  }
0x31: {  	[smem:$0x3FB8] =	sst s10  }
0x32: {  	s10 =	sld [smem:$0x3FB6];
	_ =	sdelay $0x3  }
0x33: {  	p0 =	seq.s32 s10, $0x1;
	s10 =	sld [smem:$0x3FB8];
	_ =	sdelay $0x3  }
0x34: {  	[smem:$0x3FB8] =	sst s10  }
0x35: {  	s10 =	sld [smem:$0x3FB7];
	_ =	sdelay $0x3  }
0x36: {  	p1 =	seq.s32 s10, $0x1;
	s10 =	sld [smem:$0x3FB8];
	_ =	sdelay $0x3  }
0x37: {  	[smem:$0x3FB8] =	sst s10  }
0x38: {  	s10 =	sld [smem:$0x3FB9]  }
0x39: {  	_ = 	snop;
	(pc) =	sbr.ind lr, $3  }
0x3a: {  	_ = 	snop  }
0x3b: {  	_ = 	snop  }
0x3c: {  	p2 =	seq.s32 s10, $0x1;
	s10 =	sld [smem:$0x3FB8]  }
0x3d: {  	_ =	shalt  }
0x3e: {  	_ =	shalt  }
0x3f: {  	_ =	shalt  }
0x40: {  	_ =	shalt  }
0x41: {  	_ =	shalt  }
0x42: {  	_ =	shalt  }
0x43: {  	_ =	shalt  }
0x44: {  	_ =	shalt  }
0x45: {  	_ =	shalt  }
0x46: {  	_ =	shalt  }
0x47: {  	_ =	shalt  }
0x48: {  	_ =	shalt  }
0x49: {  	_ =	shalt  }
0x4a: {  	_ =	shalt  }
0x4b: {  	_ =	shalt  }
0x4c: {  	_ =	shalt  }
0x4d: {  	_ =	shalt  }
0x4e: {  	_ =	shalt  }
0x4f: {  	_ =	shalt  }
0x50: {  	_ =	shalt  }
0x51: {  	_ =	shalt  }
0x52: {  	_ =	shalt  }
0x53: {  	_ =	shalt  }
0x54: {  	_ =	shalt  }
0x55: {  	_ =	shalt  }
0x56: {  	_ =	shalt  }
0x57: {  	_ =	shalt  }
0x58: {  	_ =	shalt  }
0x59: {  	_ =	shalt  }
0x5a: {  	_ =	shalt  }
0x5b: {  	_ =	shalt  }
0x5c: {  	_ =	shalt  }
0x5d: {  	_ =	shalt  }
0x5e: {  	_ =	shalt  }
0x5f: {  	_ =	shalt  }
0x60: {  	_ =	shalt  }
0x61: {  	_ =	shalt  }
0x62: {  	_ =	shalt  }
0x63: {  	_ =	shalt  }
0x64: {  	_ =	shalt  }
0x65: {  	_ =	shalt  }
0x66: {  	_ =	shalt  }
0x67: {  	_ =	shalt  }
0x68: {  	_ =	shalt  }
0x69: {  	_ =	shalt  }
0x6a: {  	_ =	shalt  }
0x6b: {  	_ =	shalt  }
0x6c: {  	_ =	shalt  }
0x6d: {  	_ =	shalt  }
0x6e: {  	_ =	shalt  }
0x6f: {  	_ =	shalt  }
0x70: {  	_ =	shalt  }
0x71: {  	_ =	shalt  }
0x72: {  	_ =	shalt  }
0x73: {  	_ =	shalt  }
0x74: {  	_ =	shalt  }
0x75: {  	_ =	shalt  }
0x76: {  	_ =	shalt  }
0x77: {  	_ =	shalt  }
0x78: {  	_ =	shalt  }
0x79: {  	_ =	shalt  }
0x7a: {  	_ =	shalt  }
0x7b: {  	_ =	shalt  }
0x7c: {  	_ =	shalt  }
0x7d: {  	_ =	shalt  }
0x7e: {  	_ =	shalt  }
0x7f: {  	_ =	shalt  }
0x80: {  	_ =	shalt  }
0x81: {  	_ =	shalt  }
0x82: {  	_ =	shalt  }
0x83: {  	_ =	shalt  }
0x84: {  	_ =	shalt  }
0x85: {  	_ =	shalt  }
0x86: {  	_ =	shalt  }
0x87: {  	_ =	shalt  }
.Lfunc_end0:
.L_simem_size_0:
called_computation_lowered:
.L_overlay_start_0:
0x88: {  	s2 =	sld [smem:$0x3FD9]  }
0x89: {  	s3 =	sld [smem:$0x3FFE];
	_ =	sdelay $0x1  }
0x8a: {  	s1 =	srdreg.scid  }
0x8b: {  	s0 =	sand.u32 $0x1, s1  }
0x8c: {  	s14 =	sshll.u32 s0, $0xA;
	s2 =	sadd.s32 s3, s2  }
0x8d: {  	s2 =	sadd.s32 s2, s14  }
0x8e: {  	[smem:$0x3FC4] =	sst s2  }
0x8f: {  	_ = 	snop  }
0x90: {  	s2 =	sld [smem:$0x3FD0];
	_ =	sdelay $0x2  }
0x91: {  	s15 =	simm.s32 $0xA;
	s4 =	simm.s32 $0x10  }
0x92: {  	[smem:s4], [sflag:s15] =	dma.local [hbm:s2], $0x1  }
0x93: {  	_ =	swait.eq [sflag:s15], $0x1  }
0x94: {  	[sflag:s15] =	ssyncset.done $0x0  }
0x95: {  	s16 =	sld [smem:$0x10];
	[sflag:s15] =	ssyncadd.s32 $0xFFFFFFFF  }
0x96: {  	s17 =	sld [smem:$0x11];
	(tm) =	ssettm $0x1  }
0x97: {  	s18 =	sld [smem:$0x3FFB];
	_ =	sdelay $0x3  }
0x98: {  	_ =	strace s18  }
0x99: {  	s4 =	sld [smem:$0x3FFC];
	_ =	sdelay $0x3  }
0x9a: {  	_ =	strace s4  }
0x9b: {  	s4 =	sld [smem:$0x3FFD];
	_ =	sdelay $0x3  }
0x9c: {  	_ =	strace s4  }
0x9d: {  	_ =	strace $0x8FFFFFFF  }
0x9e: {  	s19 =	sld [smem:$0x3FDB];
	_ =	sdelay $0x1  }
0x9f: {  	s5 =	simm.s32 $_scs_section_size  }
0xa0: {  	s6 =	simm.s32 $_size__tile_overlayer_lowered;
	s7 =	simm.s32 $_tile_overlayer_lowered  }
0xa1: {  	s22 =	simm.s32 $0x1BFF;
	s21 =	sshll.u32 s7, $0x1;
	s4 =	sadd.s32 s5, s19  }
0xa2: {  	s8 =	simm.s32 $0x0;
	s20 =	sshll.u32 s6, $0x1;
	s6 =	sadd.s32 s21, s4  }
0xa3: {  	[timem:s8], [sflag:s22] =	dma.local [hbm:s6], s20  }
0xa4: {  	_ =	swait.ge [sflag:s22], s20  }
0xa5: {  	s5 =	ssub.s32 $0x0, s20;
	[sflag:s22] =	ssyncset.done $0x0  }
0xa6: {  	[sflag:s22] =	ssyncadd.s32 s5;
	_ =	sdelay $0x1  }
0xa7: {  	s23 =	simm.s32 $0x1B8B  }
0xa8: {  	_ =	swait.ge [sflag:s23], $0x1  }
0xa9: {  	[sflag:s23] =	ssyncset.done $0x0  }
0xaa: {  	s25 =	simm.s32 $0x1B8E;
	s24 =	sld [smem:$0x3FFE];
	[sflag:s23] =	ssyncadd.s32 $0xFFFFFFFF  }
0xab: {  	s26 =	simm.s32 $execute0_lowered;
	[smem:$0x3FD2] =	sst s25  }
0xac: {  	s6 =	sshll.u32 s26, $0x1;
	_ =	strace $0x80000046;
	[dreg:$0x1] =	wrdreg $0xFFFFFFFF  }
0xad: {  	s28 =	simm.s32 $_size_execute0_lowered;
	s4 =	sadd.s32 s4, s6;
	[dreg:$0x0] =	wrdreg $0x0  }
0xae: {  	s6 =	sshll.u32 s28, $0x1;
	[dreg:$0x2] =	wrdreg s4  }
0xaf: {  	[dreg:$0x3] =	wrdreg s6  }
0xb0: {  	[dreg:$0x4] =	wrdreg $0xC0  }
0xb1: {  	_ =	task [dreg:s8], $0x5FFFF  }
0xb2: {  	[dreg:$0x1] =	wrdreg $0xFFFFFFFF  }
0xb3: {  	[dreg:$0x0] =	wrdreg $0x60  }
0xb4: {  	[dreg:$0x2] =	wrdreg s16  }
0xb5: {  	[dreg:$0x3] =	wrdreg s24  }
0xb6: {  	[dreg:$0x4] =	wrdreg s17  }
0xb7: {  	[dreg:$0x5] =	wrdreg $0x9  }
0xb8: {  	_ =	task.clear_ibuf [dreg:s8], $0x6FFFF;
	_ =	strace $0x90000046  }
0xb9: {  	s29 =	simm.s32 $0x9;
	_ =	strace $0x80000048  }
0xba: {  	_ =	swait.ge [sflag:s29], $0x1  }
0xbb: {  	[sflag:s29] =	ssyncadd.s32 $0xFFFFFFFF  }
0xbc: {  	_ =	strace $0x90000048  }
0xbd: {  	_ =	sfence  }
0xbe: {  	s30 =	sld [smem:$0x0];
	_ =	sdelay $0x2  }
0xbf: {  	s31 =	sshll.u32 s1, $0xD;
	s1 =	sshrl.u32 s1, $0x2  }
0xc0: {  	s3 =	sand.u32 $0x4000, s31;
	s1 =	sadd.s32 s1, s30  }
0xc1: {  	s0 =	sor.u32 s3, s0;
	s1 =	sshll.u32 s1, $0x11  }
0xc2: {  	s0 =	sor.u32 s1, s0  }
0xc3: {  	s0 =	sadd.s32 $0x8F2B, s0  }
0xc4: {  	[sflag:s0] =	ssyncadd.remote.s32 $0x1  }
0xc5: {  	_ =	sfence.sel $0xFFFF  }
0xc6: {  	[dreg:$0x0] =	wrdreg $0xFFFFFFFF;
	(pc) =	sbr.abs _section_cstart, $3  }
0xc7: {  	[dreg:$0x1] =	wrdreg $0xFFFFFFFF  }
0xc8: {  	_ =	task.clear_ibuf [dreg:s8], $0x2FFFF;
	_ =	strace $0x9FFFFFFF  }
0xc9: {  	(tm) =	ssettm $0x7FFFFFFF  }
tec
execute0_lowered:
.L_overlay_start_1:
0x0: {  	(tag) =	ssettag $0x1  }
0x1: {  	s1 =	rddreg [dreg:$0x0]  }
0x2: {  	s5 =	rddreg [dreg:$0x1]  }
0x3: {  	s6 =	rddreg [dreg:$0x2]  }
0x4: {  	s0 =	rddreg [dreg:$0x3]  }
0x5: {  	s3 =	simm.s32 $0x0;
	s4 =	srdreg.scid;
	s2 =	stileid.u32  }
0x6: {  	s10 =	simm.s32 $0x1400;
	s11 =	simm.s32 $0x1480;
	s12 =	simm.s32 $0x1  }
0x7: {  	s13 =	simm.s32 $0x1C80;
	s14 =	simm.s32 $0x0;
	[smem:$0x7FF] =	sst s3  }
.Ltmp0:
0x8: {  	s4 =	sand.u32 $0x1, s4;
	s8 =	sshll.u32 s2, $0x6;
	(pc) =	sbr.rel .LBB2_1-.Ltmp0, $4  }
0x9: {  	v0 =	vlaneseq.u32;
	s5 =	sadd.s32 $0x200, s5;
	s7 =	ssub.s32 $0x2, s4;
	s4 =	sshll.u32 s4, $0x5  }
0xa: {  	vm0 =	vmmov $0xffff;
	v1 =	vmul.u32 $0x80, v0;
	_ =	strace $0x80000047;
	s9 =	sshrl.u32 s7, $0x1;
	s4 =	sor.u32 s4, s8  }
0xb: {  	v2 =	vor.u32 $0x400, v0;
	v3 =	vor.u32 $0x800, v0;
	v6 =	vor.u32 $0xC00, v0;
	s7 =	ssub.s32 s7, s9;
	s8 =	sshrl.u32 s4, $0x3;
	s9 =	simm.s32 $0x2  }
0xc: {  	v7 =	vor.u32 $0x80000000, v0;
	v4 =	vor.u32 $0x16, v1;
	v5 =	vor.u32 $0x2C, v1;
	s6 =	sadd.s32 s6, s8;
	s7 =	smax.u32 s7, $0x1;
	s8 =	sor.u32 $0x10, s4  }
.LBB2_21:
0xd: {  	s14 =	sadd.s32 $0x1, s14  }
0xe: {  	p0 =	sne.s32 s14, s7  }
.Ltmp1:
0xf: {  	[tilespmem:$0x1C90] =	vst v8;
	(pc) =	sbr.rel @!p0 .LBB2_22-.Ltmp1, $4  }
0x10: {  	[hbm4b:s6+s3] =	stream.linear.scatter [tilespmem:s13], [sflag:$0x2], $0x20, $0x38;
	[tilespmem:$0x1D00] =	vst v63  }
0x11: {  	_ =	swait.ge [sflag:s9], $0x20  }
0x12: {  	[sflag:s9] =	ssyncset.done $0x0  }
0x13: {  	[sflag:s9] =	ssyncadd.s32 $0xFFFFFFE0  }
.LBB2_1:
.Ltmp2:
0x14: {  	(pc) =	sbr.rel .LBB2_2-.Ltmp2, $4  }
0x15: {  	[tilespmem:s3], [sflag:$0x2] =	stream.linear.gather [hbm4b:s5+s3], $0x1400, $0x38;
	[tilespmem:$0x1D00] =	vst v63  }
0x16: {  	_ =	swait.ge [sflag:s9], $0x1400  }
0x17: {  	[sflag:s9] =	ssyncset.done $0x0  }
0x18: {  	v8 =	vimm.f32 $0.0e+00;
	s15 =	simm.s32 $0x0;
	[sflag:s9] =	ssyncadd.s32 $0xFFFFEC00  }
.LBB2_9:
0x19: {  	p0 =	sgt.f32 s18, $0.0e+00;
	p1 =	seq.s32 s17, s16  }
0x1a: {  	s18 =	simm.f32 $1.000000000e+00;
	p2 =	seq.s32 s16, $0x0;
	s17 =	simm.f32 $1.000000000e+00  }
0x1b: {  	s18 =	simm.s32 @!p1 $0x0;
	s17 =	simm.s32 @!p2 $0x0  }
0x1c: {  	s17 =	smov.u32 @p0 s18  }
.LBB2_10:
0x1d: {  	v9 =	vmov s15;
	s15 =	sadd.s32 $0x1, s15  }
0x1e: {  	p0 =	sne.s32 s15, $0x10  }
.Ltmp3:
0x1f: {  	_ = 	snop;
	(pc) =	sbr.rel @!p0 .LBB2_11-.Ltmp3, $3  }
0x20: {  	_ =	sdelay $0x1  }
0x21: {  	vm1 =	veq.s32 v9, v0  }
0x22: {  	v8 =	vsel vm1, s17, v8  }
.LBB2_2:
0x23: {  	s16 =	sor.u32 s4, s15  }
0x24: {  	v9 =	vmov s16  }
0x25: {  	v10 =	vor.u32 $0x1000, v9;
	_ =	sdelay $0x4  }
0x26: {  	v10 =	vld.idx.msk [tilespmem:v10+s3+$0x0], $0xffff;
	_ =	sdelay $0x4  }
0x27: {  	(v2sf) =	vpush v10, $0x0;
	_ =	sdelay $0xe  }
0x28: {  	s17 =	spop (v2sf)  }
0x29: {  	p0 =	sgt.f32 s17, $1.000000000e+00  }
.Ltmp4:
0x2a: {  	_ = 	snop;
	(pc) =	sbr.rel @!p0 .LBB2_10-.Ltmp4, $2  }
0x2b: {  	_ =	sdelay $0x2  }
0x2c: {  	s17 =	simm.f32 $0.0e+00  }
0x2d: {  	v10 =	vor.u32 $0x400, v9  }
0x2e: {  	v11 =	vor.u32 $0x800, v9  }
0x2f: {  	s18 =	sshll.u32 s15, $0x4  }
0x30: {  	s17 =	simm.s32 $0x0;
	s19 =	sshll.u32 s16, $0x4;
	s18 =	sand.u32 $0x70, s18  }
0x31: {  	v9 =	vld.idx.msk [tilespmem:v9+s17+$0x0], $0xffff;
	s19 =	sand.u32 $0x3E80, s19;
	s18 =	sadd.s32 s1, s18  }
.Ltmp5:
0x32: {  	s18 =	sadd.s32 s19, s18;
	v10 =	vld.idx.msk [tilespmem:v10+s17+$0x0], $0xffff;
	(pc) =	sbr.rel .LBB2_4-.Ltmp5, $4  }
0x33: {  	v11 =	vld.idx.msk [tilespmem:v11+s17+$0x0], $0xffff;
	[tilespmem:s10], [sflag:$0x2] =	stream.linear.gather [hbm4b:s18+s17], $0x80, $0x38  }
0x34: {  	_ =	swait.ge [sflag:s9], $0x80  }
0x35: {  	[sflag:s9] =	ssyncset.done $0x0  }
0x36: {  	s19 =	simm.s32 $0x0;
	s18 =	simm.f32 $0.0e+00;
	[sflag:s9] =	ssyncadd.s32 $0xFFFFFF80  }
.LBB2_7:
0x37: {  	_ =	sdelay $0x3  }
0x38: {  	v27 =	vld.idx.msk [tilespmem:v27+s11+$0x0], $0xffff  }
0x39: {  	v29 =	vld.idx.msk [tilespmem:v29+s10+$0x0], $0xffff  }
0x3a: {  	v26 =	vld.idx.msk [tilespmem:v26+s11+$0x0], $0xffff  }
0x3b: {  	v30 =	vld.idx.msk [tilespmem:v30+s10+$0x0], $0xffff  }
0x3c: {  	v24 =	vld.idx.msk [tilespmem:v24+s11+$0x0], $0xffff  }
0x3d: {  	v28 =	vsub.f32 v28, v31;
	v23 =	vld.idx.msk [tilespmem:v23+s10+$0x0], $0xffff;
	_ =	sdelay $0x1  }
0x3e: {  	v21 =	vsub.f32 v21, v32;
	v49 =	vmul.f32 v33, v33;
	v28 =	vmul.f32 v28, v28  }
0x3f: {  	v27 =	vsub.f32 v27, v29;
	v26 =	vsub.f32 v26, v30  }
0x40: {  	v21 =	vmul.f32 v21, v21;
	v28 =	vadd.f32 v28, v49  }
0x41: {  	v23 =	vsub.f32 v24, v23;
	v50 =	vmul.f32 v27, v27;
	v26 =	vmul.f32 v26, v26;
	_ =	sdelay $0x1  }
0x42: {  	v21 =	vadd.f32 v21, v28;
	v23 =	vmul.f32 v23, v23;
	v24 =	vadd.f32 v26, v50;
	_ =	sdelay $0x1  }
0x43: {  	v51 =	vsub.s32 $0x5F3759DF, v34;
	v21 =	vadd.f32 $9.999999930e-09, v21;
	v23 =	vadd.f32 v23, v24  }
0x44: {  	v52 =	vmul.f32 v51, v20  }
0x45: {  	v53 =	vshra.s32 v21, $0x1;
	v54 =	vmul.f32 $5.000000000e-01, v21;
	v23 =	vadd.f32 $9.999999930e-09, v23  }
0x46: {  	v24 =	vmul.f32 v51, v52;
	v27 =	vsub.s32 $0x5F3759DF, v53  }
0x47: {  	v55 =	vmul.f32 v27, v54;
	v56 =	vshra.s32 v23, $0x1;
	v57 =	vmul.f32 $5.000000000e-01, v23  }
0x48: {  	v24 =	vsub.f32 $1.500000000e+00, v24;
	v30 =	vsub.s32 $0x5F3759DF, v56  }
0x49: {  	v29 =	vmul.f32 v27, v55;
	v58 =	vmul.f32 v30, v57  }
0x4a: {  	v24 =	vmul.f32 v51, v24  }
0x4b: {  	v59 =	vsub.f32 $1.500000000e+00, v29;
	v60 =	vmul.f32 v30, v58  }
0x4c: {  	v25 =	vmul.f32 v25, v19;
	v61 =	vmul.f32 v24, v20  }
0x4d: {  	v26 =	vmul.f32 v27, v59;
	v62 =	vsub.f32 $1.500000000e+00, v60  }
0x4e: {  	v25 =	vsub.f32 $1.500000000e+00, v25;
	v63 =	vmul.f32 v61, v24  }
0x4f: {  	v36 =	vmul.f32 v26, v54;
	v27 =	vmul.f32 v30, v62  }
0x50: {  	v37 =	vmul.f32 v25, v19;
	v38 =	vsub.f32 $1.500000000e+00, v63  }
0x51: {  	v39 =	vmul.f32 v36, v26;
	v30 =	vmul.f32 v27, v57  }
0x52: {  	v16 =	vmul.f32 v37, v16;
	v24 =	vmul.f32 v38, v24  }
0x53: {  	v40 =	vsub.f32 $1.500000000e+00, v39;
	v41 =	vmul.f32 v30, v27  }
0x54: {  	v16 =	vmul.f32 v16, v37;
	v42 =	vmul.f32 v24, v20  }
0x55: {  	v25 =	vmul.f32 v40, v26;
	v43 =	vsub.f32 $1.500000000e+00, v41  }
0x56: {  	v17 =	vmul.f32 v22, v17;
	v16 =	vsub.f32 $1.500000000e+00, v16;
	v20 =	vmul.f32 v42, v24  }
0x57: {  	v44 =	vmul.f32 v25, v54;
	v26 =	vmul.f32 v43, v27  }
0x58: {  	v13 =	vmul.f32 v17, v13;
	v16 =	vmul.f32 v16, v37  }
0x59: {  	v45 =	vsub.f32 $1.500000000e+00, v20;
	v46 =	vmul.f32 v44, v25;
	v47 =	vmul.f32 v26, v57  }
0x5a: {  	v13 =	vadd.f32 v13, v14;
	v48 =	vmul.f32 v16, v15  }
0x5b: {  	v49 =	vmul.f32 v45, v24;
	v50 =	vsub.f32 $1.500000000e+00, v46;
	v51 =	vmul.f32 v47, v26  }
0x5c: {  	v13 =	vadd.f32 v48, v13  }
0x5d: {  	v52 =	vmul.f32 v49, v18;
	v53 =	vmul.f32 v50, v25;
	v54 =	vsub.f32 $1.500000000e+00, v51  }
0x5e: {  	v57 =	vor.u32 v6, v12  }
0x5f: {  	v13 =	vadd.f32 v52, v13;
	v55 =	vmul.f32 v53, v21;
	v56 =	vmul.f32 v54, v26;
	_ =	sdelay $0x1  }
0x60: {  	v13 =	vadd.f32 v55, v13;
	v58 =	vmul.f32 v56, v23;
	_ =	sdelay $0x1  }
0x61: {  	v13 =	vadd.f32 v58, v13  }
0x62: {  	v59 =	vld.idx.msk [tilespmem:v57+s3+$0x0], $0xffff  }
0x63: {  	v13 =	vmul.f32 $4.545454680e-02, v13;
	_ =	sdelay $0x1  }
0x64: {  	vm2 =	vlt.f32 v13, $2.500000000e+00  }
0x65: {  	vm1 =	vmand vm1, vm2  }
0x66: {  	v60 =	vnsel vm1, $0x0, v59  }
0x67: {  	(xrf0) =	vmax.scan.msk.f32 $0xffff, v60;
	_ =	sdelay $0x5  }
0x68: {  	v61, _, _ =	vpop (xrf0)  }
0x69: {  	v62 =	vbroadcast v61, $0xF;
	_ =	sdelay $0x1  }
0x6a: {  	v63 =	vor.u32 v7, v12;
	vm1 =	veq.f32 v60, v62  }
0x6b: {  	v12 =	vnsel vm1, $0x8001869F, v63  }
0x6c: {  	(xrf0) =	vmin.scan.msk.u32 $0xffff, v12;
	_ =	sdelay $0x5  }
0x6d: {  	(v2sf) =	vpush v61, $0xF;
	v12, _, _ =	vpop (xrf0)  }
0x6e: {  	(v2sf) =	vpush v12, $0xF;
	_ =	sdelay $0xd  }
0x6f: {  	s20 =	spop (v2sf)  }
0x70: {  	p0 =	sgt.f32 s20, s18;
	s21 =	spop (v2sf)  }
0x71: {  	s21 =	sxor.u32 $0x80000000, s21  }
0x72: {  	s18 =	smov.u32 @p0 s20;
	s17 =	smov.u32 @p0 s21  }
.LBB2_8:
0x73: {  	s19 =	sadd.s32 $0x1, s19  }
0x74: {  	p0 =	sne.s32 s19, $0x40  }
.Ltmp6:
0x75: {  	_ = 	snop;
	(pc) =	sbr.rel @!p0 .LBB2_9-.Ltmp6, $1  }
0x76: {  	_ =	sdelay $0x3  }
.LBB2_4:
0x77: {  	s20 =	sshll.u32 s19, $0x4  }
0x78: {  	v12 =	vor.u32 s20, v0  }
0x79: {  	v13 =	vor.u32 s20, v2;
	_ =	sdelay $0x3  }
0x7a: {  	v14 =	vld.idx.msk [tilespmem:v12+s3+$0x0], $0xffff  }
0x7b: {  	v13 =	vld.idx.msk [tilespmem:v13+s3+$0x0], $0xffff  }
0x7c: {  	v15 =	vor.u32 s20, v3;
	_ =	sdelay $0x3  }
0x7d: {  	v14 =	vsub.f32 v14, v9;
	v13 =	vsub.f32 v13, v10  }
0x7e: {  	v15 =	vld.idx.msk [tilespmem:v15+s3+$0x0], $0xffff  }
0x7f: {  	v14 =	vmul.f32 v14, v14;
	v13 =	vmul.f32 v13, v13;
	_ =	sdelay $0x1  }
0x80: {  	v13 =	vadd.f32 v13, v14;
	_ =	sdelay $0x1  }
0x81: {  	vm2 =	veq.f32 v15, v11;
	vm1 =	vle.f32 v13, $2.500000000e+01  }
0x82: {  	vm1 =	vmand vm2, vm1  }
0x83: {  	v13 =	vmpcnt.ones.xlane vm1;
	_ =	sdelay $0x1  }
0x84: {  	(v2sf) =	vpush v13, $0x0;
	_ =	sdelay $0xe  }
0x85: {  	s21 =	spop (v2sf)  }
0x86: {  	p0 =	slt.s32 s21, $0x1  }
.Ltmp7:
0x87: {  	_ = 	snop;
	(pc) =	sbr.rel @p0 .LBB2_8-.Ltmp7, $1  }
0x88: {  	_ =	sdelay $0x3  }
0x89: {  	_ =	sdelay $0x1  }
0x8a: {  	s21 =	simm.s32 $0x0  }
0x8b: {  	v13 =	vor.u32 s21, v1  }
0x8c: {  	[tilespmem:s11], [sflag:$0x1] =	stream.indirect_vreg.gather [hbm4b:s1+s21], $0x80, v12, vm0, $0xb8;
	v12 =	vmov s21;
	[tilespmem:$0x1D00] =	vst v63  }
0x8d: {  	v14 =	vadd.s32 s21, v4;
	_ =	swait.ge [sflag:s12], $0x800  }
0x8e: {  	v15 =	vadd.s32 $0x16, v12;
	[sflag:s12] =	ssyncset.done $0x0  }
0x8f: {  	v16 =	vadd.s32 s21, v5;
	[sflag:s12] =	ssyncadd.s32 $0xFFFFF800  }
0x90: {  	v17 =	vadd.s32 $0x2C, v12;
	v13 =	vld.idx.msk [tilespmem:v13+s11+$0x0], $0xffff  }
0x91: {  	v12 =	vld.idx.msk [tilespmem:v12+s10+$0x0], $0xffff  }
0x92: {  	v14 =	vld.idx.msk [tilespmem:v14+s11+$0x0], $0xffff  }
0x93: {  	v15 =	vld.idx.msk [tilespmem:v15+s10+$0x0], $0xffff  }
0x94: {  	v16 =	vld.idx.msk [tilespmem:v16+s11+$0x0], $0xffff  }
0x95: {  	s28 =	simm.s32 $0x1;
	v17 =	vld.idx.msk [tilespmem:v17+s10+$0x0], $0xffff  }
0x96: {  	v18 =	vor.u32 s28, v1  }
0x97: {  	v19 =	vmov s28  }
0x98: {  	v20 =	vadd.s32 s28, v4;
	v12 =	vsub.f32 v13, v12;
	v13 =	vsub.f32 v14, v15  }
0x99: {  	v14 =	vadd.s32 s28, v5;
	v15 =	vadd.s32 $0x16, v19  }
0x9a: {  	v16 =	vsub.f32 v16, v17;
	v12 =	vmul.f32 v12, v12;
	v13 =	vmul.f32 v13, v13  }
0x9b: {  	v18 =	vld.idx.msk [tilespmem:v18+s11+$0x0], $0xffff;
	v17 =	vadd.s32 $0x2C, v19  }
0x9c: {  	v19 =	vld.idx.msk [tilespmem:v19+s10+$0x0], $0xffff;
	v12 =	vadd.f32 v13, v12;
	v13 =	vmul.f32 v16, v16  }
0x9d: {  	v16 =	vld.idx.msk [tilespmem:v20+s11+$0x0], $0xffff  }
0x9e: {  	v15 =	vld.idx.msk [tilespmem:v15+s10+$0x0], $0xffff;
	v12 =	vadd.f32 v13, v12  }
0x9f: {  	s29 =	simm.s32 $0x2;
	v14 =	vld.idx.msk [tilespmem:v14+s11+$0x0], $0xffff  }
0xa0: {  	v20 =	vadd.s32 s29, v5;
	v17 =	vld.idx.msk [tilespmem:v17+s10+$0x0], $0xffff;
	v13 =	vadd.f32 $9.999999930e-09, v12  }
0xa1: {  	v21 =	vmov s29;
	v12 =	vor.u32 s29, v1  }
0xa2: {  	v22 =	vadd.s32 s29, v4;
	v23 =	vshra.s32 v13, $0x1;
	v25 =	vmul.f32 $5.000000000e-01, v13  }
0xa3: {  	v18 =	vsub.f32 v18, v19;
	v15 =	vsub.f32 v16, v15;
	v16 =	vsub.s32 $0x5F3759DF, v23  }
0xa4: {  	v19 =	vadd.s32 $0x2C, v21;
	v23 =	vadd.s32 $0x16, v21;
	v24 =	vmul.f32 v16, v25  }
0xa5: {  	v20 =	vld.idx.msk [tilespmem:v20+s11+$0x0], $0xffff;
	v14 =	vsub.f32 v14, v17;
	v17 =	vmul.f32 v18, v18;
	v15 =	vmul.f32 v15, v15  }
0xa6: {  	v18 =	vld.idx.msk [tilespmem:v12+s11+$0x0], $0xffff;
	v12 =	vmul.f32 v16, v24  }
0xa7: {  	v21 =	vld.idx.msk [tilespmem:v21+s10+$0x0], $0xffff;
	v14 =	vmul.f32 v14, v14;
	v15 =	vadd.f32 v15, v17  }
0xa8: {  	v17 =	vld.idx.msk [tilespmem:v22+s11+$0x0], $0xffff;
	v12 =	vsub.f32 $1.500000000e+00, v12  }
0xa9: {  	s30 =	simm.s32 $0x3;
	v22 =	vld.idx.msk [tilespmem:v23+s10+$0x0], $0xffff;
	v15 =	vadd.f32 v14, v15  }
0xaa: {  	v26 =	vmov s30;
	v19 =	vld.idx.msk [tilespmem:v19+s10+$0x0], $0xffff;
	v23 =	vmul.f32 v16, v12  }
0xab: {  	v28 =	vadd.s32 s30, v5;
	v24 =	vor.u32 s30, v1;
	v15 =	vadd.f32 $9.999999930e-09, v15  }
0xac: {  	v30 =	vadd.s32 s30, v4;
	v31 =	vadd.s32 $0x16, v26;
	v27 =	vmul.f32 v23, v25  }
0xad: {  	v18 =	vsub.f32 v18, v21;
	v21 =	vshra.s32 v15, $0x1;
	v16 =	vmul.f32 $5.000000000e-01, v15  }
0xae: {  	v17 =	vsub.f32 v17, v22;
	v22 =	vsub.s32 $0x5F3759DF, v21;
	v21 =	vmul.f32 v27, v23  }
0xaf: {  	v34 =	vadd.s32 $0x2C, v26;
	v33 =	vld.idx.msk [tilespmem:v26+s10+$0x0], $0xffff;
	v19 =	vsub.f32 v20, v19;
	v20 =	vmul.f32 v22, v16  }
0xb0: {  	s31 =	simm.s32 $0x4;
	v32 =	vld.idx.msk [tilespmem:v24+s11+$0x0], $0xffff;
	v18 =	vmul.f32 v18, v18;
	v17 =	vmul.f32 v17, v17;
	v21 =	vsub.f32 $1.500000000e+00, v21  }
0xb1: {  	v29 =	vmov s31;
	v20 =	vmul.f32 v22, v20  }
0xb2: {  	v31 =	vld.idx.msk [tilespmem:v31+s10+$0x0], $0xffff;
	v19 =	vmul.f32 v19, v19;
	v18 =	vadd.f32 v17, v18;
	v17 =	vmul.f32 v21, v23  }
0xb3: {  	v26 =	vadd.s32 s31, v4;
	v14 =	vimm.f32 $0.0e+00;
	v20 =	vsub.f32 $1.500000000e+00, v20;
	v21 =	vld.idx.msk [tilespmem:v28+s11+$0x0], $0xffff  }
0xb4: {  	v12 =	vmov s20;
	v28 =	vld.idx.msk [tilespmem:v30+s11+$0x0], $0xffff;
	v18 =	vadd.f32 v19, v18;
	v25 =	vmul.f32 v17, v25  }
0xb5: {  	v24 =	vadd.s32 s31, v5;
	v33 =	vsub.f32 v32, v33;
	v32 =	vld.idx.msk [tilespmem:v34+s10+$0x0], $0xffff;
	v19 =	vmul.f32 v22, v20  }
0xb6: {  	v27 =	vor.u32 s31, v1;
	v18 =	vadd.f32 $9.999999930e-09, v18;
	v22 =	vmul.f32 v25, v17  }
0xb7: {  	v23 =	vadd.s32 $0x2C, v29;
	v30 =	vadd.s32 $0x16, v29;
	v25 =	vmul.f32 v19, v16  }
0xb8: {  	s20 =	simm.s32 $0x5;
	v34 =	vshra.s32 v18, $0x1;
	v20 =	vmul.f32 $5.000000000e-01, v18;
	v22 =	vsub.f32 $1.500000000e+00, v22  }
.LBB2_6:
0xb9: {  	p0 =	sne.s32 s20, $0x15;
	v28 =	vsub.f32 v28, v31;
	v34 =	vsub.s32 $0x5F3759DF, v34;
	v25 =	vmul.f32 v25, v19  }
0xba: {  	v31 =	vsub.f32 v21, v32;
	v17 =	vmul.f32 v22, v17;
	v21 =	vld.idx.msk [tilespmem:v24+s11+$0x0], $0xffff;
	v24 =	vmul.f32 v34, v20  }
0xbb: {  	v22 =	vld.idx.msk [tilespmem:v27+s11+$0x0], $0xffff;
	v27 =	vmul.f32 v33, v33;
	v32 =	vmul.f32 v28, v28;
	v25 =	vsub.f32 $1.500000000e+00, v25  }
0xbc: {  	v35 =	vmul.f32 v17, v13;
	v13 =	vmovc v15;
	v15 =	vmov v18;
	v33 =	vld.idx.msk [tilespmem:v29+s10+$0x0], $0xffff;
	v29 =	vmul.f32 v34, v24  }
0xbd: {  	v28 =	vld.idx.msk [tilespmem:v26+s11+$0x0], $0xffff;
	v18 =	vadd.f32 v32, v27;
	v26 =	vmul.f32 v31, v31;
	v17 =	vmul.f32 v25, v19  }
0xbe: {  	v24 =	vadd.s32 s20, v5;
	v14 =	vadd.f32 v35, v14;
	v31 =	vld.idx.msk [tilespmem:v30+s10+$0x0], $0xffff;
	v19 =	vsub.f32 $1.500000000e+00, v29  }
.Ltmp8:
0xbf: {  	v27 =	vor.u32 s20, v1;
	v32 =	vld.idx.msk [tilespmem:v23+s10+$0x0], $0xffff;
	v18 =	vadd.f32 v26, v18;
	v25 =	vmul.f32 v17, v16;
	v16 =	vmovc v20;
	(pc) =	sbr.rel @p0 .LBB2_6-.Ltmp8, $4  }
0xc0: {  	v29 =	vmov s20;
	v26 =	vadd.s32 s20, v4;
	v19 =	vmul.f32 v34, v19  }
0xc1: {  	v23 =	vadd.s32 $0x2C, v29;
	v18 =	vadd.f32 $9.999999930e-09, v18;
	v35 =	vmul.f32 v25, v17  }
0xc2: {  	v30 =	vadd.s32 $0x16, v29;
	v33 =	vsub.f32 v22, v33;
	v25 =	vmul.f32 v19, v16  }
0xc3: {  	s20 =	sadd.s32 $0x1, s20;
	v34 =	vshra.s32 v18, $0x1;
	v20 =	vmul.f32 $5.000000000e-01, v18;
	v22 =	vsub.f32 $1.500000000e+00, v35  }
.Ltmp9:
0xc4: {  	_ = 	snop;
	(pc) =	sbr.rel .LBB2_7-.Ltmp9, $1  }
0xc5: {  	_ =	sdelay $0x3  }
.LBB2_11:
.Ltmp10:
0xc6: {  	(pc) =	sbr.rel .LBB2_12-.Ltmp10, $2  }
0xc7: {  	_ =	sdelay $0x2  }
0xc8: {  	[tilespmem:$0x1C80] =	vst v8;
	s15 =	simm.s32 $0x0;
	v8 =	vimm.f32 $0.0e+00  }
.LBB2_19:
0xc9: {  	p0 =	sgt.f32 s18, $0.0e+00;
	p1 =	seq.s32 s17, s16;
	s17 =	simm.f32 $1.000000000e+00  }
0xca: {  	s17 =	simm.s32 @!p1 $0x0  }
0xcb: {  	s17 =	simm.s32 @!p0 $0x0  }
.LBB2_20:
0xcc: {  	v9 =	vmov s15;
	s15 =	sadd.s32 $0x1, s15  }
0xcd: {  	p0 =	sne.s32 s15, $0x10  }
.Ltmp11:
0xce: {  	_ = 	snop;
	(pc) =	sbr.rel @!p0 .LBB2_21-.Ltmp11, $3  }
0xcf: {  	_ =	sdelay $0x1  }
0xd0: {  	vm1 =	veq.s32 v9, v0  }
0xd1: {  	v8 =	vsel vm1, s17, v8  }
.LBB2_12:
0xd2: {  	s16 =	sor.u32 s8, s15  }
0xd3: {  	v9 =	vmov s16  }
0xd4: {  	v10 =	vand.u32 $0x7FFFFF80, v9;
	v11 =	vand.u32 $0x7F, v9  }
0xd5: {  	v12 =	vor.u32 v11, v10  }
0xd6: {  	v12 =	vadd.s32 $0x1000, v12;
	_ =	sdelay $0x4  }
0xd7: {  	v12 =	vld.idx.msk [tilespmem:v12+s3+$0x0], $0xffff;
	_ =	sdelay $0x4  }
0xd8: {  	(v2sf) =	vpush v12, $0x0;
	_ =	sdelay $0xe  }
0xd9: {  	s17 =	spop (v2sf)  }
0xda: {  	p0 =	sgt.f32 s17, $1.000000000e+00  }
.Ltmp12:
0xdb: {  	_ = 	snop;
	(pc) =	sbr.rel @!p0 .LBB2_20-.Ltmp12, $2  }
0xdc: {  	_ =	sdelay $0x2  }
0xdd: {  	s17 =	simm.f32 $0.0e+00  }
0xde: {  	v10 =	vadd.s32 v11, v10  }
0xdf: {  	v11 =	vadd.s32 $0x400, v10  }
0xe0: {  	v12 =	vadd.s32 $0x800, v10  }
0xe1: {  	s18 =	sshll.u32 s15, $0x4  }
0xe2: {  	s17 =	simm.s32 $0x0;
	s19 =	sshll.u32 s16, $0x4;
	s18 =	sand.u32 $0x70, s18  }
0xe3: {  	v9 =	vld.idx.msk [tilespmem:v9+s17+$0x0], $0xffff;
	s19 =	sand.u32 $0xFFFFF80, s19;
	s18 =	sadd.s32 s1, s18  }
.Ltmp13:
0xe4: {  	s18 =	sadd.s32 s19, s18;
	v10 =	vld.idx.msk [tilespmem:v11+s17+$0x0], $0xffff;
	(pc) =	sbr.rel .LBB2_14-.Ltmp13, $4  }
0xe5: {  	v11 =	vld.idx.msk [tilespmem:v12+s17+$0x0], $0xffff;
	[tilespmem:s10], [sflag:$0x2] =	stream.linear.gather [hbm4b:s18+s17], $0x80, $0x38  }
0xe6: {  	_ =	swait.ge [sflag:s9], $0x80  }
0xe7: {  	[sflag:s9] =	ssyncset.done $0x0  }
0xe8: {  	s19 =	simm.s32 $0x0;
	s18 =	simm.f32 $0.0e+00;
	[sflag:s9] =	ssyncadd.s32 $0xFFFFFF80  }
.LBB2_17:
0xe9: {  	_ =	sdelay $0x3  }
0xea: {  	v27 =	vld.idx.msk [tilespmem:v27+s11+$0x0], $0xffff  }
0xeb: {  	v29 =	vld.idx.msk [tilespmem:v29+s10+$0x0], $0xffff  }
0xec: {  	v26 =	vld.idx.msk [tilespmem:v26+s11+$0x0], $0xffff  }
0xed: {  	v30 =	vld.idx.msk [tilespmem:v30+s10+$0x0], $0xffff  }
0xee: {  	v24 =	vld.idx.msk [tilespmem:v24+s11+$0x0], $0xffff  }
0xef: {  	v28 =	vsub.f32 v28, v31;
	v23 =	vld.idx.msk [tilespmem:v23+s10+$0x0], $0xffff;
	_ =	sdelay $0x1  }
0xf0: {  	v21 =	vsub.f32 v21, v32;
	v49 =	vmul.f32 v33, v33;
	v28 =	vmul.f32 v28, v28  }
0xf1: {  	v27 =	vsub.f32 v27, v29;
	v26 =	vsub.f32 v26, v30  }
0xf2: {  	v21 =	vmul.f32 v21, v21;
	v28 =	vadd.f32 v28, v49  }
0xf3: {  	v23 =	vsub.f32 v24, v23;
	v50 =	vmul.f32 v27, v27;
	v26 =	vmul.f32 v26, v26;
	_ =	sdelay $0x1  }
0xf4: {  	v21 =	vadd.f32 v21, v28;
	v23 =	vmul.f32 v23, v23;
	v24 =	vadd.f32 v26, v50;
	_ =	sdelay $0x1  }
0xf5: {  	v51 =	vsub.s32 $0x5F3759DF, v34;
	v21 =	vadd.f32 $9.999999930e-09, v21;
	v23 =	vadd.f32 v23, v24  }
0xf6: {  	v52 =	vmul.f32 v51, v20  }
0xf7: {  	v53 =	vshra.s32 v21, $0x1;
	v54 =	vmul.f32 $5.000000000e-01, v21;
	v23 =	vadd.f32 $9.999999930e-09, v23  }
0xf8: {  	v24 =	vmul.f32 v51, v52;
	v27 =	vsub.s32 $0x5F3759DF, v53  }
0xf9: {  	v55 =	vmul.f32 v27, v54;
	v56 =	vshra.s32 v23, $0x1;
	v57 =	vmul.f32 $5.000000000e-01, v23  }
0xfa: {  	v24 =	vsub.f32 $1.500000000e+00, v24;
	v30 =	vsub.s32 $0x5F3759DF, v56  }
0xfb: {  	v29 =	vmul.f32 v27, v55;
	v58 =	vmul.f32 v30, v57  }
0xfc: {  	v24 =	vmul.f32 v51, v24  }
0xfd: {  	v59 =	vsub.f32 $1.500000000e+00, v29;
	v60 =	vmul.f32 v30, v58  }
0xfe: {  	v25 =	vmul.f32 v25, v19;
	v61 =	vmul.f32 v24, v20  }
0xff: {  	v26 =	vmul.f32 v27, v59;
	v62 =	vsub.f32 $1.500000000e+00, v60  }
0x100: {  	v25 =	vsub.f32 $1.500000000e+00, v25;
	v63 =	vmul.f32 v61, v24  }
0x101: {  	v36 =	vmul.f32 v26, v54;
	v27 =	vmul.f32 v30, v62  }
0x102: {  	v37 =	vmul.f32 v25, v19;
	v38 =	vsub.f32 $1.500000000e+00, v63  }
0x103: {  	v39 =	vmul.f32 v36, v26;
	v30 =	vmul.f32 v27, v57  }
0x104: {  	v16 =	vmul.f32 v37, v16;
	v24 =	vmul.f32 v38, v24  }
0x105: {  	v40 =	vsub.f32 $1.500000000e+00, v39;
	v41 =	vmul.f32 v30, v27  }
0x106: {  	v16 =	vmul.f32 v16, v37;
	v42 =	vmul.f32 v24, v20  }
0x107: {  	v25 =	vmul.f32 v40, v26;
	v43 =	vsub.f32 $1.500000000e+00, v41  }
0x108: {  	v17 =	vmul.f32 v22, v17;
	v16 =	vsub.f32 $1.500000000e+00, v16;
	v20 =	vmul.f32 v42, v24  }
0x109: {  	v44 =	vmul.f32 v25, v54;
	v26 =	vmul.f32 v43, v27  }
0x10a: {  	v13 =	vmul.f32 v17, v13;
	v16 =	vmul.f32 v16, v37  }
0x10b: {  	v45 =	vsub.f32 $1.500000000e+00, v20;
	v46 =	vmul.f32 v44, v25;
	v47 =	vmul.f32 v26, v57  }
0x10c: {  	v13 =	vadd.f32 v13, v14;
	v48 =	vmul.f32 v16, v15  }
0x10d: {  	v49 =	vmul.f32 v45, v24;
	v50 =	vsub.f32 $1.500000000e+00, v46;
	v51 =	vmul.f32 v47, v26  }
0x10e: {  	v13 =	vadd.f32 v48, v13  }
0x10f: {  	v52 =	vmul.f32 v49, v18;
	v53 =	vmul.f32 v50, v25;
	v54 =	vsub.f32 $1.500000000e+00, v51  }
0x110: {  	v57 =	vor.u32 v6, v12  }
0x111: {  	v13 =	vadd.f32 v52, v13;
	v55 =	vmul.f32 v53, v21;
	v56 =	vmul.f32 v54, v26;
	_ =	sdelay $0x1  }
0x112: {  	v13 =	vadd.f32 v55, v13;
	v58 =	vmul.f32 v56, v23;
	_ =	sdelay $0x1  }
0x113: {  	v13 =	vadd.f32 v58, v13  }
0x114: {  	v59 =	vld.idx.msk [tilespmem:v57+s3+$0x0], $0xffff  }
0x115: {  	v13 =	vmul.f32 $4.545454680e-02, v13;
	_ =	sdelay $0x1  }
0x116: {  	vm2 =	vlt.f32 v13, $2.500000000e+00  }
0x117: {  	vm1 =	vmand vm1, vm2  }
0x118: {  	v60 =	vnsel vm1, $0x0, v59  }
0x119: {  	(xrf0) =	vmax.scan.msk.f32 $0xffff, v60;
	_ =	sdelay $0x5  }
0x11a: {  	v61, _, _ =	vpop (xrf0)  }
0x11b: {  	v62 =	vbroadcast v61, $0xF;
	_ =	sdelay $0x1  }
0x11c: {  	v63 =	vor.u32 v7, v12;
	vm1 =	veq.f32 v60, v62  }
0x11d: {  	v12 =	vnsel vm1, $0x8001869F, v63  }
0x11e: {  	(xrf0) =	vmin.scan.msk.u32 $0xffff, v12;
	_ =	sdelay $0x5  }
0x11f: {  	(v2sf) =	vpush v61, $0xF;
	v12, _, _ =	vpop (xrf0)  }
0x120: {  	(v2sf) =	vpush v12, $0xF;
	_ =	sdelay $0xd  }
0x121: {  	s20 =	spop (v2sf)  }
0x122: {  	p0 =	sgt.f32 s20, s18;
	s21 =	spop (v2sf)  }
0x123: {  	s21 =	sxor.u32 $0x80000000, s21  }
0x124: {  	s18 =	smov.u32 @p0 s20;
	s17 =	smov.u32 @p0 s21  }
.LBB2_18:
0x125: {  	s19 =	sadd.s32 $0x1, s19  }
0x126: {  	p0 =	sne.s32 s19, $0x40  }
.Ltmp14:
0x127: {  	_ = 	snop;
	(pc) =	sbr.rel @!p0 .LBB2_19-.Ltmp14, $1  }
0x128: {  	_ =	sdelay $0x3  }
.LBB2_14:
0x129: {  	s20 =	sshll.u32 s19, $0x4  }
0x12a: {  	v12 =	vor.u32 s20, v0  }
0x12b: {  	v13 =	vor.u32 s20, v2;
	_ =	sdelay $0x3  }
0x12c: {  	v14 =	vld.idx.msk [tilespmem:v12+s3+$0x0], $0xffff  }
0x12d: {  	v13 =	vld.idx.msk [tilespmem:v13+s3+$0x0], $0xffff  }
0x12e: {  	v15 =	vor.u32 s20, v3;
	_ =	sdelay $0x3  }
0x12f: {  	v14 =	vsub.f32 v14, v9;
	v13 =	vsub.f32 v13, v10  }
0x130: {  	v15 =	vld.idx.msk [tilespmem:v15+s3+$0x0], $0xffff  }
0x131: {  	v14 =	vmul.f32 v14, v14;
	v13 =	vmul.f32 v13, v13;
	_ =	sdelay $0x1  }
0x132: {  	v13 =	vadd.f32 v13, v14;
	_ =	sdelay $0x1  }
0x133: {  	vm2 =	veq.f32 v15, v11;
	vm1 =	vle.f32 v13, $2.500000000e+01  }
0x134: {  	vm1 =	vmand vm2, vm1  }
0x135: {  	v13 =	vmpcnt.ones.xlane vm1;
	_ =	sdelay $0x1  }
0x136: {  	(v2sf) =	vpush v13, $0x0;
	_ =	sdelay $0xe  }
0x137: {  	s21 =	spop (v2sf)  }
0x138: {  	p0 =	slt.s32 s21, $0x1  }
.Ltmp15:
0x139: {  	_ = 	snop;
	(pc) =	sbr.rel @p0 .LBB2_18-.Ltmp15, $1  }
0x13a: {  	_ =	sdelay $0x3  }
0x13b: {  	_ =	sdelay $0x1  }
0x13c: {  	s21 =	simm.s32 $0x0  }
0x13d: {  	v13 =	vor.u32 s21, v1  }
0x13e: {  	[tilespmem:s11], [sflag:$0x1] =	stream.indirect_vreg.gather [hbm4b:s1+s21], $0x80, v12, vm0, $0xb8;
	v12 =	vmov s21;
	[tilespmem:$0x1D00] =	vst v63  }
0x13f: {  	v14 =	vadd.s32 s21, v4;
	_ =	swait.ge [sflag:s12], $0x800  }
0x140: {  	v15 =	vadd.s32 $0x16, v12;
	[sflag:s12] =	ssyncset.done $0x0  }
0x141: {  	v16 =	vadd.s32 s21, v5;
	[sflag:s12] =	ssyncadd.s32 $0xFFFFF800  }
0x142: {  	v17 =	vadd.s32 $0x2C, v12;
	v13 =	vld.idx.msk [tilespmem:v13+s11+$0x0], $0xffff  }
0x143: {  	v12 =	vld.idx.msk [tilespmem:v12+s10+$0x0], $0xffff  }
0x144: {  	v14 =	vld.idx.msk [tilespmem:v14+s11+$0x0], $0xffff  }
0x145: {  	v15 =	vld.idx.msk [tilespmem:v15+s10+$0x0], $0xffff  }
0x146: {  	v16 =	vld.idx.msk [tilespmem:v16+s11+$0x0], $0xffff  }
0x147: {  	s28 =	simm.s32 $0x1;
	v17 =	vld.idx.msk [tilespmem:v17+s10+$0x0], $0xffff  }
0x148: {  	v18 =	vor.u32 s28, v1  }
0x149: {  	v19 =	vmov s28  }
0x14a: {  	v20 =	vadd.s32 s28, v4;
	v12 =	vsub.f32 v13, v12;
	v13 =	vsub.f32 v14, v15  }
0x14b: {  	v14 =	vadd.s32 s28, v5;
	v15 =	vadd.s32 $0x16, v19  }
0x14c: {  	v16 =	vsub.f32 v16, v17;
	v12 =	vmul.f32 v12, v12;
	v13 =	vmul.f32 v13, v13  }
0x14d: {  	v18 =	vld.idx.msk [tilespmem:v18+s11+$0x0], $0xffff;
	v17 =	vadd.s32 $0x2C, v19  }
0x14e: {  	v19 =	vld.idx.msk [tilespmem:v19+s10+$0x0], $0xffff;
	v12 =	vadd.f32 v13, v12;
	v13 =	vmul.f32 v16, v16  }
0x14f: {  	v16 =	vld.idx.msk [tilespmem:v20+s11+$0x0], $0xffff  }
0x150: {  	v15 =	vld.idx.msk [tilespmem:v15+s10+$0x0], $0xffff;
	v12 =	vadd.f32 v13, v12  }
0x151: {  	s29 =	simm.s32 $0x2;
	v14 =	vld.idx.msk [tilespmem:v14+s11+$0x0], $0xffff  }
0x152: {  	v20 =	vadd.s32 s29, v5;
	v17 =	vld.idx.msk [tilespmem:v17+s10+$0x0], $0xffff;
	v13 =	vadd.f32 $9.999999930e-09, v12  }
0x153: {  	v21 =	vmov s29;
	v12 =	vor.u32 s29, v1  }
0x154: {  	v22 =	vadd.s32 s29, v4;
	v23 =	vshra.s32 v13, $0x1;
	v25 =	vmul.f32 $5.000000000e-01, v13  }
0x155: {  	v18 =	vsub.f32 v18, v19;
	v15 =	vsub.f32 v16, v15;
	v16 =	vsub.s32 $0x5F3759DF, v23  }
0x156: {  	v19 =	vadd.s32 $0x2C, v21;
	v23 =	vadd.s32 $0x16, v21;
	v24 =	vmul.f32 v16, v25  }
0x157: {  	v20 =	vld.idx.msk [tilespmem:v20+s11+$0x0], $0xffff;
	v14 =	vsub.f32 v14, v17;
	v17 =	vmul.f32 v18, v18;
	v15 =	vmul.f32 v15, v15  }
0x158: {  	v18 =	vld.idx.msk [tilespmem:v12+s11+$0x0], $0xffff;
	v12 =	vmul.f32 v16, v24  }
0x159: {  	v21 =	vld.idx.msk [tilespmem:v21+s10+$0x0], $0xffff;
	v14 =	vmul.f32 v14, v14;
	v15 =	vadd.f32 v15, v17  }
0x15a: {  	v17 =	vld.idx.msk [tilespmem:v22+s11+$0x0], $0xffff;
	v12 =	vsub.f32 $1.500000000e+00, v12  }
0x15b: {  	s30 =	simm.s32 $0x3;
	v22 =	vld.idx.msk [tilespmem:v23+s10+$0x0], $0xffff;
	v15 =	vadd.f32 v14, v15  }
0x15c: {  	v26 =	vmov s30;
	v19 =	vld.idx.msk [tilespmem:v19+s10+$0x0], $0xffff;
	v23 =	vmul.f32 v16, v12  }
0x15d: {  	v28 =	vadd.s32 s30, v5;
	v24 =	vor.u32 s30, v1;
	v15 =	vadd.f32 $9.999999930e-09, v15  }
0x15e: {  	v30 =	vadd.s32 s30, v4;
	v31 =	vadd.s32 $0x16, v26;
	v27 =	vmul.f32 v23, v25  }
0x15f: {  	v18 =	vsub.f32 v18, v21;
	v21 =	vshra.s32 v15, $0x1;
	v16 =	vmul.f32 $5.000000000e-01, v15  }
0x160: {  	v17 =	vsub.f32 v17, v22;
	v22 =	vsub.s32 $0x5F3759DF, v21;
	v21 =	vmul.f32 v27, v23  }
0x161: {  	v34 =	vadd.s32 $0x2C, v26;
	v33 =	vld.idx.msk [tilespmem:v26+s10+$0x0], $0xffff;
	v19 =	vsub.f32 v20, v19;
	v20 =	vmul.f32 v22, v16  }
0x162: {  	s31 =	simm.s32 $0x4;
	v32 =	vld.idx.msk [tilespmem:v24+s11+$0x0], $0xffff;
	v18 =	vmul.f32 v18, v18;
	v17 =	vmul.f32 v17, v17;
	v21 =	vsub.f32 $1.500000000e+00, v21  }
0x163: {  	v29 =	vmov s31;
	v20 =	vmul.f32 v22, v20  }
0x164: {  	v31 =	vld.idx.msk [tilespmem:v31+s10+$0x0], $0xffff;
	v19 =	vmul.f32 v19, v19;
	v18 =	vadd.f32 v17, v18;
	v17 =	vmul.f32 v21, v23  }
0x165: {  	v26 =	vadd.s32 s31, v4;
	v14 =	vimm.f32 $0.0e+00;
	v20 =	vsub.f32 $1.500000000e+00, v20;
	v21 =	vld.idx.msk [tilespmem:v28+s11+$0x0], $0xffff  }
0x166: {  	v12 =	vmov s20;
	v28 =	vld.idx.msk [tilespmem:v30+s11+$0x0], $0xffff;
	v18 =	vadd.f32 v19, v18;
	v25 =	vmul.f32 v17, v25  }
0x167: {  	v24 =	vadd.s32 s31, v5;
	v33 =	vsub.f32 v32, v33;
	v32 =	vld.idx.msk [tilespmem:v34+s10+$0x0], $0xffff;
	v19 =	vmul.f32 v22, v20  }
0x168: {  	v27 =	vor.u32 s31, v1;
	v18 =	vadd.f32 $9.999999930e-09, v18;
	v22 =	vmul.f32 v25, v17  }
0x169: {  	v23 =	vadd.s32 $0x2C, v29;
	v30 =	vadd.s32 $0x16, v29;
	v25 =	vmul.f32 v19, v16  }
0x16a: {  	s20 =	simm.s32 $0x5;
	v34 =	vshra.s32 v18, $0x1;
	v20 =	vmul.f32 $5.000000000e-01, v18;
	v22 =	vsub.f32 $1.500000000e+00, v22  }
.LBB2_16:
0x16b: {  	p0 =	sne.s32 s20, $0x15;
	v28 =	vsub.f32 v28, v31;
	v34 =	vsub.s32 $0x5F3759DF, v34;
	v25 =	vmul.f32 v25, v19  }
0x16c: {  	v31 =	vsub.f32 v21, v32;
	v17 =	vmul.f32 v22, v17;
	v21 =	vld.idx.msk [tilespmem:v24+s11+$0x0], $0xffff;
	v24 =	vmul.f32 v34, v20  }
0x16d: {  	v22 =	vld.idx.msk [tilespmem:v27+s11+$0x0], $0xffff;
	v27 =	vmul.f32 v33, v33;
	v32 =	vmul.f32 v28, v28;
	v25 =	vsub.f32 $1.500000000e+00, v25  }
0x16e: {  	v35 =	vmul.f32 v17, v13;
	v13 =	vmovc v15;
	v15 =	vmov v18;
	v33 =	vld.idx.msk [tilespmem:v29+s10+$0x0], $0xffff;
	v29 =	vmul.f32 v34, v24  }
0x16f: {  	v28 =	vld.idx.msk [tilespmem:v26+s11+$0x0], $0xffff;
	v18 =	vadd.f32 v32, v27;
	v26 =	vmul.f32 v31, v31;
	v17 =	vmul.f32 v25, v19  }
0x170: {  	v24 =	vadd.s32 s20, v5;
	v14 =	vadd.f32 v35, v14;
	v31 =	vld.idx.msk [tilespmem:v30+s10+$0x0], $0xffff;
	v19 =	vsub.f32 $1.500000000e+00, v29  }
.Ltmp16:
0x171: {  	v27 =	vor.u32 s20, v1;
	v32 =	vld.idx.msk [tilespmem:v23+s10+$0x0], $0xffff;
	v18 =	vadd.f32 v26, v18;
	v25 =	vmul.f32 v17, v16;
	v16 =	vmovc v20;
	(pc) =	sbr.rel @p0 .LBB2_16-.Ltmp16, $4  }
0x172: {  	v29 =	vmov s20;
	v26 =	vadd.s32 s20, v4;
	v19 =	vmul.f32 v34, v19  }
0x173: {  	v23 =	vadd.s32 $0x2C, v29;
	v18 =	vadd.f32 $9.999999930e-09, v18;
	v35 =	vmul.f32 v25, v17  }
0x174: {  	v30 =	vadd.s32 $0x16, v29;
	v33 =	vsub.f32 v22, v33;
	v25 =	vmul.f32 v19, v16  }
0x175: {  	s20 =	sadd.s32 $0x1, s20;
	v34 =	vshra.s32 v18, $0x1;
	v20 =	vmul.f32 $5.000000000e-01, v18;
	v22 =	vsub.f32 $1.500000000e+00, v35  }
.Ltmp17:
0x176: {  	_ = 	snop;
	(pc) =	sbr.rel .LBB2_17-.Ltmp17, $1  }
0x177: {  	_ =	sdelay $0x3  }
.LBB2_22:
0x178: {  	_ =	sfence.sel $0x180000  }
0x179: {  	[bflag:$0x0] =	sbarrier.arrive $0xFFFF  }
0x17a: {  	p0 =	sne.s32 s2, $0x0;
	_ =	strace $0x90000047  }
0x17b: {  	s0 =	sadd.s32 @!p0 $0x100000, s0;
	[bflag:$0x2] =	sbarrier.arrive $0xFFFF  }
0x17c: {  	[sflag:s0] =	ssyncadd.tile.s32 @!p0 $0x1;
	_ =	shalt  }
.Lfunc_end2:
_tile_overlayer_lowered:
.L_overlay_start_2:
0x17d: {  	(tag) =	ssettag $0x2  }
0x17e: {  	s0 =	rddreg [dreg:$0x0];
	s2 =	stileid.u32  }
0x17f: {  	s1 =	rddreg [dreg:$0x1];
	p0 =	sne.s32 s2, $0x0  }
0x180: {  	s3 =	rddreg [dreg:$0x2];
	[bflag:$0x3] =	sbarrier.arrive $0xFFFF;
	s2 =	simm.s32 @!p0 $0x1C02  }
0x181: {  	[timem:s3], [sflag:s2] =	dma.local @!p0 [hbm:s0], s1  }
0x182: {  	s0 =	simm.s32 @!p0 $0x2  }
0x183: {  	_ =	swait.ge @!p0 [sflag:s0], s1  }
0x184: {  	s1 =	ssub.s32 @!p0 $0x0, s1;
	[sflag:s0] =	ssyncset.done @!p0 $0x0  }
0x185: {  	[sflag:s0] =	ssyncadd.s32 @!p0 s1  }
0x186: {  	[bflag:$0x3] =	sbarrier.arrive $0xFFFF  }
0x187: {  	_ =	shalt  }

</sc_bundles>
